<compile_context>
chip_gen: v7x
topology: tpu7x:2x2x1
jax: 0.10.2.dev20260603
libtpu: 0.0.44.dev20260713+nightly
codegen_flags: <defaults>
</compile_context>

<pallas_src>
import functools

import jax
import jax.numpy as jnp
from jax import lax
from jax.experimental import pallas as pl
from jax.experimental.pallas import tpu as pltpu
from jax.experimental.pallas import tpu_sc as plsc

N = 10000
D = 128
NC = 2
NS = 16
NW = NC * NS
NP = 10240
ROWS_PER_TILE = NP // NS

E_TOT = N + 320000
K = 128
STEPS = 82
EPT = STEPS * K
EP = NW * EPT
TOT_CHUNKS = NW * STEPS
C0 = 154
C1 = 164 - C0

_mesh = plsc.VectorSubcoreMesh(
    core_axis_name="c", subcore_axis_name="s", num_cores=NC, num_subcores=NS)



def _deg_body(dst_hbm, out_hbm, dst_v, deg_v, sem):
  del sem
  c = lax.axis_index("c")
  s = lax.axis_index("s")
  wid = c * NS + s
  pltpu.sync_copy(dst_hbm.at[wid], dst_v)

  def zero(i, carry):
    deg_v[pl.ds(i * 16, 16)] = jnp.zeros((16,), jnp.float32)
    return carry
  lax.fori_loop(0, NP // 16, zero, 0)

  ones = jnp.ones((16,), jnp.float32)

  def add16(i, carry):
    idx = dst_v[pl.ds(i * 16, 16)]
    plsc.addupdate_scatter(deg_v, [idx], ones)
    return carry
  lax.fori_loop(0, EPT // 16, add16, 0)

  pltpu.sync_copy(deg_v, out_hbm.at[wid])


_deg_call = functools.partial(
    pl.kernel,
    out_type=jax.ShapeDtypeStruct((NW, NP), jnp.float32),
    mesh=_mesh,
    compiler_params=pltpu.CompilerParams(needs_layout_passes=False),
    scratch_types=[
        pltpu.VMEM((EPT,), jnp.int32),
        pltpu.VMEM((NP,), jnp.float32),
        pltpu.SemaphoreType.DMA,
    ],
)(_deg_body)



def _mp_body(g_hbm, idx_hbm, out_hbm,
             ibuf0, ibuf1, ibuf2, ibuf3, rows0, rows1, acc_sh,
             semi0, semi1, semi2, semi3, semg0, semg1, sems0, sems1):
  c = lax.axis_index("c")
  s = lax.axis_index("s")
  base = jnp.where(c == 0, s * C0, NS * C0 + s * C1)
  nst = jnp.where(c == 0, C0, C1)

  def zbuf_zero(i, carry):
    rows0[i // 8, pl.ds((i % 8) * 16, 16)] = jnp.zeros((16,), jnp.float32)
    return carry
  lax.fori_loop(0, 128, zbuf_zero, 0)

  def acc_zero(t, carry):
    pltpu.sync_copy(rows0.at[pl.ds(0, 16)],
                    acc_sh.at[pl.ds(s * ROWS_PER_TILE + t * 16, 16)])
    return carry
  lax.fori_loop(0, ROWS_PER_TILE // 16, acc_zero, 0)
  plsc.subcore_barrier()

  del ibuf2, ibuf3, semi2, semi3, sems0, sems1
  pltpu.sync_copy(idx_hbm.at[base], ibuf0)
  pltpu.async_copy(g_hbm.at[ibuf0.at[0]], rows0, semg0)
  pltpu.async_copy(idx_hbm.at[base + 1], ibuf1, semi1)

  def step2(i, carry):
    t = 2 * i
    pltpu.make_async_copy(idx_hbm.at[base], ibuf1, semi1).wait()
    pltpu.async_copy(g_hbm.at[ibuf1.at[0]], rows1, semg1)
    pltpu.make_async_copy(g_hbm.at[ibuf0.at[0]], rows0, semg0).wait()
    pltpu.sync_copy(rows0, acc_sh.at[ibuf0.at[1]], add=True)

    @pl.when(t + 2 < nst)
    def _():
      pltpu.async_copy(idx_hbm.at[base + t + 2], ibuf0, semi0)
      pltpu.make_async_copy(idx_hbm.at[base], ibuf0, semi0).wait()
      pltpu.async_copy(g_hbm.at[ibuf0.at[0]], rows0, semg0)

    pltpu.make_async_copy(g_hbm.at[ibuf1.at[0]], rows1, semg1).wait()
    pltpu.sync_copy(rows1, acc_sh.at[ibuf1.at[1]], add=True)

    @pl.when(t + 3 < nst)
    def _():
      pltpu.async_copy(idx_hbm.at[base + t + 3], ibuf1, semi1)
    return carry
  lax.fori_loop(0, nst // 2, step2, 0)
  plsc.subcore_barrier()

  pltpu.sync_copy(acc_sh.at[pl.ds(s * ROWS_PER_TILE, ROWS_PER_TILE)],
                  out_hbm.at[c, pl.ds(s * ROWS_PER_TILE, ROWS_PER_TILE)])


_mp_call = functools.partial(
    pl.kernel,
    out_type=jax.ShapeDtypeStruct((NC, NP, D), jnp.float32),
    mesh=_mesh,
    scratch_types=[
        pltpu.VMEM((2, K), jnp.int32),
        pltpu.VMEM((2, K), jnp.int32),
        pltpu.VMEM((2, K), jnp.int32),
        pltpu.VMEM((2, K), jnp.int32),
        pltpu.VMEM((K, D), jnp.float32),
        pltpu.VMEM((K, D), jnp.float32),
        pltpu.VMEM_SHARED((NP, D), jnp.float32),
    ] + [pltpu.SemaphoreType.DMA] * 8,
)(_mp_body)



def _dis_block(degT_blk):
  deg = jnp.sum(degT_blk, axis=1, keepdims=True)
  return jnp.where(deg > 0, lax.rsqrt(deg), 0.0)


def _g1_body(degT_ref, x_ref, w_ref, g_ref):
  dis = _dis_block(degT_ref[...])
  g_ref[...] = dis * jnp.dot(x_ref[...], w_ref[...],
                             preferred_element_type=jnp.float32)


def _g1_call(degT, xp, W1):
  R = 1024
  return pl.pallas_call(
      _g1_body,
      grid=(NP // R,),
      in_specs=[
          pl.BlockSpec((R, NW), lambda i: (i, 0)),
          pl.BlockSpec((R, D), lambda i: (i, 0)),
          pl.BlockSpec((D, D), lambda i: (0, 0)),
      ],
      out_specs=pl.BlockSpec((R, D), lambda i: (i, 0)),
      out_shape=jax.ShapeDtypeStruct((NP, D), jnp.float32),
  )(degT, xp, W1)


def _mid_body(p_ref, degT_ref, b1_ref, w2_ref, g2_ref):
  dis = _dis_block(degT_ref[...])
  h = jnp.maximum(dis * (p_ref[0] + p_ref[1]) + b1_ref[...], 0.0)
  g2_ref[...] = dis * jnp.dot(h, w2_ref[...],
                              preferred_element_type=jnp.float32)


def _mid_call(p, degT, b1, W2):
  R = 1024
  return pl.pallas_call(
      _mid_body,
      grid=(NP // R,),
      in_specs=[
          pl.BlockSpec((NC, R, D), lambda i: (0, i, 0)),
          pl.BlockSpec((R, NW), lambda i: (i, 0)),
          pl.BlockSpec((1, D), lambda i: (0, 0)),
          pl.BlockSpec((D, D), lambda i: (0, 0)),
      ],
      out_specs=pl.BlockSpec((R, D), lambda i: (i, 0)),
      out_shape=jax.ShapeDtypeStruct((NP, D), jnp.float32),
  )(p, degT, b1, W2)


def _fin_body(q_ref, degT_ref, b2_ref, o_ref):
  dis = _dis_block(degT_ref[...])
  o_ref[...] = dis * (q_ref[0] + q_ref[1]) + b2_ref[...]


def _fin_call(q, degT, b2):
  R = 1000
  return pl.pallas_call(
      _fin_body,
      grid=(N // R,),
      in_specs=[
          pl.BlockSpec((NC, R, D), lambda i: (0, i, 0)),
          pl.BlockSpec((R, NW), lambda i: (i, 0)),
          pl.BlockSpec((1, D), lambda i: (0, 0)),
      ],
      out_specs=pl.BlockSpec((R, D), lambda i: (i, 0)),
      out_shape=jax.ShapeDtypeStruct((N, D), jnp.float32),
  )(q, degT, b2)



def kernel(x, edge_index, W1, b1, W2, b2):
  loop = jnp.arange(N, dtype=edge_index.dtype)
  src = jnp.concatenate([edge_index[0], loop]).astype(jnp.int32)
  dst = jnp.concatenate([edge_index[1], loop]).astype(jnp.int32)
  npad = EP - E_TOT
  src = jnp.concatenate([src, jnp.zeros((npad,), jnp.int32)])
  pad_dst = N + jnp.arange(npad, dtype=jnp.int32) % (NP - N)
  dst = jnp.concatenate([dst, pad_dst])
  src2 = src.reshape(TOT_CHUNKS, K)
  dst2 = dst.reshape(TOT_CHUNKS, K)
  idx3 = jnp.stack([src2, dst2], axis=1)
  xp = jnp.concatenate([x, jnp.zeros((NP - N, D), x.dtype)])

  deg_parts = _deg_call(dst.reshape(NW, EPT))
  degT = deg_parts.T

  g1 = _g1_call(degT, xp, W1)
  p = _mp_call(g1, idx3)
  g2 = _mid_call(p, degT, b1.reshape(1, D), W2)
  q = _mp_call(g2, idx3)
  return _fin_call(q, degT, b2.reshape(1, D))

# --- scband reference (transcript-rebuilt; emitter-appended) ---
"""Pipeline reference for scband-gnn-67362267070571 (READ-ONLY COPY).

The authoritative reference and input builder live on the scoring server;
editing this copy changes nothing except your own understanding.
"""

import jax, jax.numpy as jnp
import numpy as np

N_NODES = 10000
N_EDGES = 320000
D = 128

def setup_inputs(seed: int = 0) -> dict:
    key = jax.random.key(seed)
    k1, k2, k3, k4, k5, k6 = jax.random.split(key, 6)
    x = jax.random.normal(k1, (N_NODES, D), dtype=jnp.float32)
    edge_index = jax.random.randint(k2, (2, N_EDGES), 0, N_NODES, dtype=jnp.int64)
    scale = 1.0 / np.sqrt(D)
    W1 = jax.random.normal(k3, (D, D), dtype=jnp.float32) * scale
    b1 = jnp.zeros((D,), dtype=jnp.float32)
    W2 = jax.random.normal(k4, (D, D), dtype=jnp.float32) * scale
    b2 = jnp.zeros((D,), dtype=jnp.float32)
    return {"x": x, "edge_index": edge_index, "W1": W1, "b1": b1, "W2": W2, "b2": b2}

def _gcn_conv(x, src, dst, W, b, num_nodes):
    # GCNConv with added self-loops and symmetric normalization (PyG semantics)
    deg = jax.ops.segment_sum(jnp.ones_like(dst, dtype=x.dtype), dst, num_segments=num_nodes)
    deg_inv_sqrt = jnp.where(deg > 0, deg ** -0.5, 0.0)
    norm = deg_inv_sqrt[src] * deg_inv_sqrt[dst]
    h = x @ W
    msgs = h[src] * norm[:, None]
    out = jax.ops.segment_sum(msgs, dst, num_segments=num_nodes)
    return out + b

def reference(x, edge_index, W1, b1, W2, b2):
    N = x.shape[0]
    loop = jnp.arange(N, dtype=edge_index.dtype)
    src = jnp.concatenate([edge_index[0], loop])
    dst = jnp.concatenate([edge_index[1], loop])
    h = _gcn_conv(x, src, dst, W1, b1, N)
    h = jax.nn.relu(h)
    out = _gcn_conv(h, src, dst, W2, b2, N)
    return out

if __name__ == "__main__":
    import jax
    _d = setup_inputs()
    print(jax.jit(kernel)(*tuple(_d.values())))

</pallas_src>

<mosaic_0001>
#map = affine_map<(d0, d1) -> (0, 0)>
#map1 = affine_map<(d0, d1) -> (0, 0, 0)>
module attributes {stable_mosaic.version = 14 : i64} {
  func.func @_mp_body(%arg0: i32, %arg1: i32, %arg2: memref<10240x128xf32, #tpu.memory_space<hbm>>, %arg3: memref<2624x2x128xi32, #tpu.memory_space<hbm>>, %arg4: memref<2x10240x128xf32, #tpu.memory_space<hbm>>, %arg5: memref<2x128xi32, #tpu.memory_space<vmem>>, %arg6: memref<2x128xi32, #tpu.memory_space<vmem>>, %arg7: memref<2x128xi32, #tpu.memory_space<vmem>>, %arg8: memref<2x128xi32, #tpu.memory_space<vmem>>, %arg9: memref<128x128xf32, #tpu.memory_space<vmem>>, %arg10: memref<128x128xf32, #tpu.memory_space<vmem>>, %arg11: memref<10240x128xf32, #tpu.memory_space<vmem_shared>>, %arg12: memref<!tpu.dma_semaphore, #tpu.memory_space<semaphore_mem>>, %arg13: memref<!tpu.dma_semaphore, #tpu.memory_space<semaphore_mem>>, %arg14: memref<!tpu.dma_semaphore, #tpu.memory_space<semaphore_mem>>, %arg15: memref<!tpu.dma_semaphore, #tpu.memory_space<semaphore_mem>>, %arg16: memref<!tpu.dma_semaphore, #tpu.memory_space<semaphore_mem>>, %arg17: memref<!tpu.dma_semaphore, #tpu.memory_space<semaphore_mem>>, %arg18: memref<!tpu.dma_semaphore, #tpu.memory_space<semaphore_mem>>, %arg19: memref<!tpu.dma_semaphore, #tpu.memory_space<semaphore_mem>>) attributes {dimension_semantics = [#tpu.dimension_semantics<core_parallel>, #tpu.dimension_semantics<subcore_parallel>], iteration_bounds = array<i64: 2, 16>, scalar_prefetch = 0 : i64, scratch_operands = 15 : i64, tpu.core_type = #tpu.core_type<sc_vector_subcore>, window_params = [{transform_indices = #map}, {transform_indices = #map1}, {transform_indices = #map1}]} {
    %eq3A = arith.constant 0 : i32
    %eq3A_0 = arith.cmpi eq, %arg0, %eq3A : i32
    %mul3A = arith.constant 154 : i32
    %mul3A_1 = arith.muli %arg1, %mul3A : i32
    %mul3A_2 = arith.constant 10 : i32
    %mul3A_3 = arith.muli %arg1, %mul3A_2 : i32
    %add3A = arith.constant 2464 : i32
    %add3A_4 = arith.addi %add3A, %mul3A_3 : i32
    %select_n3A = arith.select %eq3A_0, %mul3A_1, %add3A_4 : i32
    %eq3A_5 = arith.constant 0 : i32
    %eq3A_6 = arith.cmpi eq, %arg0, %eq3A_5 : i32
    %jit3A = arith.constant 154 : i32
    %jit3A_7 = arith.constant 10 : i32
    %select_n3A_8 = arith.select %eq3A_6, %jit3A, %jit3A_7 : i32
    %scan3A = arith.constant 0 : i32
    %scan3A_9 = arith.constant 0 : i32
    %scan3A_10 = arith.constant 128 : i32
    %scan3A_11 = arith.addi %scan3A_9, %scan3A_10 : i32
    %scan3A_12 = arith.constant 1 : i32
    scf.for %scan3A_68 = %scan3A_9 to %scan3A_11 step %scan3A_12  : i32 {
      %broadcast_in_dim3A = arith.constant 0.000000e+00 : f32
      %broadcast_in_dim3A_69 = vector.broadcast %broadcast_in_dim3A : f32 to vector<16xf32>
      %jit3A_70 = arith.constant 8 : i32
      %div3A_71 = arith.divsi %scan3A_68, %jit3A_70 : i32
      %sign3A_72 = arith.constant 0 : i32
      %sign3A_73 = arith.cmpi sgt, %scan3A_68, %sign3A_72 : i32
      %sign3A_74 = arith.extui %sign3A_73 : i1 to i32
      %sign3A_75 = arith.constant 0 : i32
      %sign3A_76 = arith.cmpi slt, %scan3A_68, %sign3A_75 : i32
      %sign3A_77 = arith.extui %sign3A_76 : i1 to i32
      %sign3A_78 = arith.subi %sign3A_74, %sign3A_77 : i32
      %sign3A_79 = arith.constant 0 : i32
      %sign3A_80 = arith.cmpi sgt, %jit3A_70, %sign3A_79 : i32
      %sign3A_81 = arith.extui %sign3A_80 : i1 to i32
      %sign3A_82 = arith.constant 0 : i32
      %sign3A_83 = arith.cmpi slt, %jit3A_70, %sign3A_82 : i32
      %sign3A_84 = arith.extui %sign3A_83 : i1 to i32
      %sign3A_85 = arith.subi %sign3A_81, %sign3A_84 : i32
      %ne3A_86 = arith.cmpi ne, %sign3A_78, %sign3A_85 : i32
      %rem3A_87 = arith.remsi %scan3A_68, %jit3A_70 : i32
      %ne3A_88 = arith.constant 0 : i32
      %ne3A_89 = arith.cmpi ne, %rem3A_87, %ne3A_88 : i32
      %and3A_90 = arith.andi %ne3A_86, %ne3A_89 : i1
      %sub3A_91 = arith.constant 1 : i32
      %sub3A_92 = arith.subi %div3A_71, %sub3A_91 : i32
      %select_n3A_93 = arith.select %and3A_90, %sub3A_92, %div3A_71 : i32
      %jit3A_94 = arith.constant 8 : i32
      %eq3A_95 = arith.constant 0 : i32
      %eq3A_96 = arith.cmpi eq, %jit3A_94, %eq3A_95 : i32
      %jit3A_97 = arith.constant 1 : i32
      %select_n3A_98 = arith.select %eq3A_96, %jit3A_97, %jit3A_94 : i32
      %rem3A_99 = arith.remsi %scan3A_68, %select_n3A_98 : i32
      %ne3A_100 = arith.constant 0 : i32
      %ne3A_101 = arith.cmpi ne, %rem3A_99, %ne3A_100 : i32
      %lt3A = arith.constant 0 : i32
      %lt3A_102 = arith.cmpi slt, %rem3A_99, %lt3A : i32
      %lt3A_103 = arith.constant 0 : i32
      %lt3A_104 = arith.cmpi slt, %select_n3A_98, %lt3A_103 : i32
      %ne3A_105 = arith.xori %lt3A_102, %lt3A_104 : i1
      %and3A_106 = arith.andi %ne3A_105, %ne3A_101 : i1
      %add3A_107 = arith.addi %rem3A_99, %select_n3A_98 : i32
      %select_n3A_108 = arith.select %and3A_106, %add3A_107, %rem3A_99 : i32
      %mul3A_109 = arith.constant 16 : i32
      %mul3A_110 = arith.muli %select_n3A_108, %mul3A_109 : i32
      %swap3A = arith.index_cast %select_n3A_93 : i32 to index
      %swap3A_111 = arith.index_cast %mul3A_110 : i32 to index
      %swap3A_112 = tpu.vector_load %arg9[%swap3A, %swap3A_111] {strides = array<i32>} : memref<128x128xf32, #tpu.memory_space<vmem>>, vector<1x16xf32>,
      %swap3A_113 = vector.shape_cast %swap3A_112 : vector<1x16xf32> to vector<16xf32>
      %swap3A_114 = vector.shape_cast %broadcast_in_dim3A_69 : vector<16xf32> to vector<1x16xf32>
      tpu.vector_store %arg9[%swap3A, %swap3A_111], %swap3A_114 {strides = array<i32>} : memref<128x128xf32, #tpu.memory_space<vmem>>, vector<1x16xf32>,
    }
    %scan3A_13 = arith.constant 128 : i32
    %scan3A_14 = arith.constant 0 : i32
    %scan3A_15 = arith.constant 0 : i32
    %scan3A_16 = arith.constant 40 : i32
    %scan3A_17 = arith.addi %scan3A_15, %scan3A_16 : i32
    %scan3A_18 = arith.constant 1 : i32
    scf.for %scan3A_68 = %scan3A_15 to %scan3A_17 step %scan3A_18  : i32 {
      %mul3A_69 = arith.constant 640 : i32
      %mul3A_70 = arith.muli %arg1, %mul3A_69 : i32
      %mul3A_71 = arith.constant 16 : i32
      %mul3A_72 = arith.muli %scan3A_68, %mul3A_71 : i32
      %add3A_73 = arith.addi %mul3A_70, %mul3A_72 : i32
      "tpu.region"() ({
        %run_scoped3A = tpu.sem_alloc : memref<!tpu.dma_semaphore, #tpu.memory_space<semaphore_mem>>
        %dma_start3A_74 = arith.constant 0 : i32
        %dma_start3A_75 = arith.constant 0 : i32
        %dma_start3A_76 = tpu.memref_slice %arg9[%dma_start3A_74, %dma_start3A_75] : memref<128x128xf32, #tpu.memory_space<vmem>> -> memref<16x128xf32, #tpu.memory_space<vmem>>
        %dma_start3A_77 = arith.constant 0 : i32
        %dma_start3A_78 = tpu.memref_slice %arg11[%add3A_73, %dma_start3A_77] : memref<10240x128xf32, #tpu.memory_space<vmem_shared>> -> memref<16x128xf32, #tpu.memory_space<vmem_shared>>
        %dma_start3A_79 = arith.constant 0 : i32
        %dma_start3A_80 = tpu.memref_slice %arg11[%add3A_73, %dma_start3A_79] : memref<10240x128xf32, #tpu.memory_space<vmem_shared>> -> memref<16x128xf32, #tpu.memory_space<vmem_shared>>
        %dma_start3A_81 = arith.constant 0 : i32
        %dma_start3A_82 = arith.constant 0 : i32
        %dma_start3A_83 = tpu.memref_slice %arg9[%dma_start3A_81, %dma_start3A_82] : memref<128x128xf32, #tpu.memory_space<vmem>> -> memref<16x128xf32, #tpu.memory_space<vmem>>
        tpu.enqueue_dma source(%dma_start3A_83 : memref<16x128xf32, #tpu.memory_space<vmem>>) target(%dma_start3A_80 : memref<16x128xf32, #tpu.memory_space<vmem_shared>>) target_semaphore(%run_scoped3A : memref<!tpu.dma_semaphore, #tpu.memory_space<semaphore_mem>>)
        %dma_wait3A = arith.constant 0 : i32
        %dma_wait3A_84 = arith.constant 0 : i32
        %dma_wait3A_85 = tpu.memref_slice %arg9[%dma_wait3A, %dma_wait3A_84] : memref<128x128xf32, #tpu.memory_space<vmem>> -> memref<16x128xf32, #tpu.memory_space<vmem>>
        %dma_wait3A_86 = arith.constant 0 : i32
        %dma_wait3A_87 = tpu.memref_slice %arg11[%add3A_73, %dma_wait3A_86] : memref<10240x128xf32, #tpu.memory_space<vmem_shared>> -> memref<16x128xf32, #tpu.memory_space<vmem_shared>>
        %dma_wait3A_88 = arith.constant 0 : i32
        %dma_wait3A_89 = tpu.memref_slice %arg11[%add3A_73, %dma_wait3A_88] : memref<10240x128xf32, #tpu.memory_space<vmem_shared>> -> memref<16x128xf32, #tpu.memory_space<vmem_shared>>
        %dma_wait3A_90 = arith.constant 0 : i32
        %dma_wait3A_91 = arith.constant 0 : i32
        %dma_wait3A_92 = tpu.memref_slice %arg9[%dma_wait3A_90, %dma_wait3A_91] : memref<128x128xf32, #tpu.memory_space<vmem>> -> memref<16x128xf32, #tpu.memory_space<vmem>>
        tpu.wait_dma2 semaphore(%run_scoped3A : memref<!tpu.dma_semaphore, #tpu.memory_space<semaphore_mem>>) src(%dma_wait3A_92 : memref<16x128xf32, #tpu.memory_space<vmem>>) dst(%dma_wait3A_89 : memref<16x128xf32, #tpu.memory_space<vmem_shared>>)
        tpu.yield
      }) : () -> ()
    }
    %scan3A_19 = arith.constant 40 : i32
    %barrier3A = arith.constant 0 : index
    tpu.barrier barrier_id(%barrier3A)
    "tpu.region"() ({
      %run_scoped3A = tpu.sem_alloc : memref<!tpu.dma_semaphore, #tpu.memory_space<semaphore_mem>>
      %dma_start3A_68 = arith.constant 0 : i32
      %dma_start3A_69 = arith.constant 0 : i32
      %dma_start3A_70 = tpu.memref_slice %arg3[%select_n3A, %dma_start3A_68, %dma_start3A_69] : memref<2624x2x128xi32, #tpu.memory_space<hbm>> -> memref<1x2x128xi32, #tpu.memory_space<hbm>>
      %dma_start3A_71 = tpu.memref_squeeze %dma_start3A_70 : memref<1x2x128xi32, #tpu.memory_space<hbm>> -> memref<2x128xi32, #tpu.memory_space<hbm>>
      %dma_start3A_72 = arith.constant 0 : i32
      %dma_start3A_73 = arith.constant 0 : i32
      %dma_start3A_74 = tpu.memref_slice %arg3[%select_n3A, %dma_start3A_72, %dma_start3A_73] : memref<2624x2x128xi32, #tpu.memory_space<hbm>> -> memref<1x2x128xi32, #tpu.memory_space<hbm>>
      %dma_start3A_75 = tpu.memref_squeeze %dma_start3A_74 : memref<1x2x128xi32, #tpu.memory_space<hbm>> -> memref<2x128xi32, #tpu.memory_space<hbm>>
      tpu.enqueue_dma source(%dma_start3A_75 : memref<2x128xi32, #tpu.memory_space<hbm>>) target(%arg5 : memref<2x128xi32, #tpu.memory_space<vmem>>) target_semaphore(%run_scoped3A : memref<!tpu.dma_semaphore, #tpu.memory_space<semaphore_mem>>)
      %dma_wait3A = arith.constant 0 : i32
      %dma_wait3A_76 = arith.constant 0 : i32
      %dma_wait3A_77 = tpu.memref_slice %arg3[%select_n3A, %dma_wait3A, %dma_wait3A_76] : memref<2624x2x128xi32, #tpu.memory_space<hbm>> -> memref<1x2x128xi32, #tpu.memory_space<hbm>>
      %dma_wait3A_78 = tpu.memref_squeeze %dma_wait3A_77 : memref<1x2x128xi32, #tpu.memory_space<hbm>> -> memref<2x128xi32, #tpu.memory_space<hbm>>
      %dma_wait3A_79 = arith.constant 0 : i32
      %dma_wait3A_80 = arith.constant 0 : i32
      %dma_wait3A_81 = tpu.memref_slice %arg3[%select_n3A, %dma_wait3A_79, %dma_wait3A_80] : memref<2624x2x128xi32, #tpu.memory_space<hbm>> -> memref<1x2x128xi32, #tpu.memory_space<hbm>>
      %dma_wait3A_82 = tpu.memref_squeeze %dma_wait3A_81 : memref<1x2x128xi32, #tpu.memory_space<hbm>> -> memref<2x128xi32, #tpu.memory_space<hbm>>
      tpu.wait_dma2 semaphore(%run_scoped3A : memref<!tpu.dma_semaphore, #tpu.memory_space<semaphore_mem>>) src(%dma_wait3A_82 : memref<2x128xi32, #tpu.memory_space<hbm>>) dst(%arg5 : memref<2x128xi32, #tpu.memory_space<vmem>>)
      tpu.yield
    }) : () -> ()
    %dma_start3A = arith.constant 0 : i32
    %dma_start3A_20 = arith.constant 0 : i32
    %dma_start3A_21 = tpu.memref_slice %arg5[%dma_start3A, %dma_start3A_20] : memref<2x128xi32, #tpu.memory_space<vmem>> -> memref<1x128xi32, #tpu.memory_space<vmem>>
    %dma_start3A_22 = tpu.memref_squeeze %dma_start3A_21 : memref<1x128xi32, #tpu.memory_space<vmem>> -> memref<128xi32, #tpu.memory_space<vmem>>
    %dma_start3A_23 = arith.constant 0 : i32
    %dma_start3A_24 = arith.constant 0 : i32
    %dma_start3A_25 = tpu.memref_slice %arg2[%dma_start3A_23, %dma_start3A_24] : memref<10240x128xf32, #tpu.memory_space<hbm>> -> memref<10240x128xf32, #tpu.memory_space<hbm>>
    tpu.enqueue_indirect_dma source(%dma_start3A_25 : memref<10240x128xf32, #tpu.memory_space<hbm>>) target(%arg9 : memref<128x128xf32, #tpu.memory_space<vmem>>) offsets(%dma_start3A_22 : memref<128xi32, #tpu.memory_space<vmem>>) semaphore(%arg16 : memref<!tpu.dma_semaphore, #tpu.memory_space<semaphore_mem>>)
    %add3A_26 = arith.constant 1 : i32
    %add3A_27 = arith.addi %select_n3A, %add3A_26 : i32
    %dma_start3A_28 = arith.constant 0 : i32
    %dma_start3A_29 = arith.constant 0 : i32
    %dma_start3A_30 = tpu.memref_slice %arg3[%add3A_27, %dma_start3A_28, %dma_start3A_29] : memref<2624x2x128xi32, #tpu.memory_space<hbm>> -> memref<1x2x128xi32, #tpu.memory_space<hbm>>
    %dma_start3A_31 = tpu.memref_squeeze %dma_start3A_30 : memref<1x2x128xi32, #tpu.memory_space<hbm>> -> memref<2x128xi32, #tpu.memory_space<hbm>>
    %dma_start3A_32 = arith.constant 0 : i32
    %dma_start3A_33 = arith.constant 0 : i32
    %dma_start3A_34 = tpu.memref_slice %arg3[%add3A_27, %dma_start3A_32, %dma_start3A_33] : memref<2624x2x128xi32, #tpu.memory_space<hbm>> -> memref<1x2x128xi32, #tpu.memory_space<hbm>>
    %dma_start3A_35 = tpu.memref_squeeze %dma_start3A_34 : memref<1x2x128xi32, #tpu.memory_space<hbm>> -> memref<2x128xi32, #tpu.memory_space<hbm>>
    tpu.enqueue_dma source(%dma_start3A_35 : memref<2x128xi32, #tpu.memory_space<hbm>>) target(%arg6 : memref<2x128xi32, #tpu.memory_space<vmem>>) target_semaphore(%arg13 : memref<!tpu.dma_semaphore, #tpu.memory_space<semaphore_mem>>)
    %jit3A_36 = arith.constant 2 : i32
    %div3A = arith.divsi %select_n3A_8, %jit3A_36 : i32
    %sign3A = arith.constant 0 : i32
    %sign3A_37 = arith.cmpi sgt, %select_n3A_8, %sign3A : i32
    %sign3A_38 = arith.extui %sign3A_37 : i1 to i32
    %sign3A_39 = arith.constant 0 : i32
    %sign3A_40 = arith.cmpi slt, %select_n3A_8, %sign3A_39 : i32
    %sign3A_41 = arith.extui %sign3A_40 : i1 to i32
    %sign3A_42 = arith.subi %sign3A_38, %sign3A_41 : i32
    %sign3A_43 = arith.constant 0 : i32
    %sign3A_44 = arith.cmpi sgt, %jit3A_36, %sign3A_43 : i32
    %sign3A_45 = arith.extui %sign3A_44 : i1 to i32
    %sign3A_46 = arith.constant 0 : i32
    %sign3A_47 = arith.cmpi slt, %jit3A_36, %sign3A_46 : i32
    %sign3A_48 = arith.extui %sign3A_47 : i1 to i32
    %sign3A_49 = arith.subi %sign3A_45, %sign3A_48 : i32
    %ne3A = arith.cmpi ne, %sign3A_42, %sign3A_49 : i32
    %rem3A = arith.remsi %select_n3A_8, %jit3A_36 : i32
    %ne3A_50 = arith.constant 0 : i32
    %ne3A_51 = arith.cmpi ne, %rem3A, %ne3A_50 : i32
    %and3A = arith.andi %ne3A, %ne3A_51 : i1
    %sub3A = arith.constant 1 : i32
    %sub3A_52 = arith.subi %div3A, %sub3A : i32
    %select_n3A_53 = arith.select %and3A, %sub3A_52, %div3A : i32
    %while3A = arith.constant 0 : i32
    %while3A_54 = arith.constant 0 : i32
    %while3A_55 = arith.subi %select_n3A_53, %while3A_54 : i32
    %while3A_56 = arith.addi %while3A_54, %while3A_55 : i32
    %while3A_57 = arith.constant 1 : i32
    %while3A_58 = arith.divsi %while3A_55, %while3A_57 : i32
    %while3A_59 = arith.muli %while3A_58, %while3A_57 : i32
    %while3A_60 = arith.addi %while3A_54, %while3A_59 : i32
    %while3A_61 = arith.constant 1 : i32
    scf.for %while3A_68 = %while3A_54 to %while3A_60 step %while3A_61  : i32 {
      %mul3A_69 = arith.constant 2 : i32
      %mul3A_70 = arith.muli %mul3A_69, %while3A_68 : i32
      %dma_wait3A = arith.constant 0 : i32
      %dma_wait3A_71 = arith.constant 0 : i32
      %dma_wait3A_72 = tpu.memref_slice %arg3[%select_n3A, %dma_wait3A, %dma_wait3A_71] : memref<2624x2x128xi32, #tpu.memory_space<hbm>> -> memref<1x2x128xi32, #tpu.memory_space<hbm>>
      %dma_wait3A_73 = tpu.memref_squeeze %dma_wait3A_72 : memref<1x2x128xi32, #tpu.memory_space<hbm>> -> memref<2x128xi32, #tpu.memory_space<hbm>>
      %dma_wait3A_74 = arith.constant 0 : i32
      %dma_wait3A_75 = arith.constant 0 : i32
      %dma_wait3A_76 = tpu.memref_slice %arg3[%select_n3A, %dma_wait3A_74, %dma_wait3A_75] : memref<2624x2x128xi32, #tpu.memory_space<hbm>> -> memref<1x2x128xi32, #tpu.memory_space<hbm>>
      %dma_wait3A_77 = tpu.memref_squeeze %dma_wait3A_76 : memref<1x2x128xi32, #tpu.memory_space<hbm>> -> memref<2x128xi32, #tpu.memory_space<hbm>>
      tpu.wait_dma2 semaphore(%arg13 : memref<!tpu.dma_semaphore, #tpu.memory_space<semaphore_mem>>) src(%dma_wait3A_77 : memref<2x128xi32, #tpu.memory_space<hbm>>) dst(%arg6 : memref<2x128xi32, #tpu.memory_space<vmem>>)
      %dma_start3A_78 = arith.constant 0 : i32
      %dma_start3A_79 = arith.constant 0 : i32
      %dma_start3A_80 = tpu.memref_slice %arg6[%dma_start3A_78, %dma_start3A_79] : memref<2x128xi32, #tpu.memory_space<vmem>> -> memref<1x128xi32, #tpu.memory_space<vmem>>
      %dma_start3A_81 = tpu.memref_squeeze %dma_start3A_80 : memref<1x128xi32, #tpu.memory_space<vmem>> -> memref<128xi32, #tpu.memory_space<vmem>>
      %dma_start3A_82 = arith.constant 0 : i32
      %dma_start3A_83 = arith.constant 0 : i32
      %dma_start3A_84 = tpu.memref_slice %arg2[%dma_start3A_82, %dma_start3A_83] : memref<10240x128xf32, #tpu.memory_space<hbm>> -> memref<10240x128xf32, #tpu.memory_space<hbm>>
      tpu.enqueue_indirect_dma source(%dma_start3A_84 : memref<10240x128xf32, #tpu.memory_space<hbm>>) target(%arg10 : memref<128x128xf32, #tpu.memory_space<vmem>>) offsets(%dma_start3A_81 : memref<128xi32, #tpu.memory_space<vmem>>) semaphore(%arg17 : memref<!tpu.dma_semaphore, #tpu.memory_space<semaphore_mem>>)
      %dma_wait3A_85 = arith.constant 0 : i32
      %dma_wait3A_86 = arith.constant 0 : i32
      %dma_wait3A_87 = tpu.memref_slice %arg5[%dma_wait3A_85, %dma_wait3A_86] : memref<2x128xi32, #tpu.memory_space<vmem>> -> memref<1x128xi32, #tpu.memory_space<vmem>>
      %dma_wait3A_88 = tpu.memref_squeeze %dma_wait3A_87 : memref<1x128xi32, #tpu.memory_space<vmem>> -> memref<128xi32, #tpu.memory_space<vmem>>
      %dma_wait3A_89 = arith.constant 0 : i32
      %dma_wait3A_90 = arith.constant 0 : i32
      %dma_wait3A_91 = tpu.memref_slice %arg2[%dma_wait3A_89, %dma_wait3A_90] : memref<10240x128xf32, #tpu.memory_space<hbm>> -> memref<10240x128xf32, #tpu.memory_space<hbm>>
      tpu.wait_indirect_dma semaphore(%arg16 : memref<!tpu.dma_semaphore, #tpu.memory_space<semaphore_mem>>) src(%dma_wait3A_91 : memref<10240x128xf32, #tpu.memory_space<hbm>>) dst(%arg9 : memref<128x128xf32, #tpu.memory_space<vmem>>)
      %run_scoped3A = arith.constant 1 : i32
      "tpu.region"() ({
        %run_scoped3A_109 = tpu.sem_alloc : memref<!tpu.dma_semaphore, #tpu.memory_space<semaphore_mem>>
        %dma_start3A_110 = arith.constant 0 : i32
        %dma_start3A_111 = tpu.memref_slice %arg5[%run_scoped3A, %dma_start3A_110] : memref<2x128xi32, #tpu.memory_space<vmem>> -> memref<1x128xi32, #tpu.memory_space<vmem>>
        %dma_start3A_112 = tpu.memref_squeeze %dma_start3A_111 : memref<1x128xi32, #tpu.memory_space<vmem>> -> memref<128xi32, #tpu.memory_space<vmem>>
        %dma_start3A_113 = arith.constant 0 : i32
        %dma_start3A_114 = arith.constant 0 : i32
        %dma_start3A_115 = tpu.memref_slice %arg11[%dma_start3A_113, %dma_start3A_114] : memref<10240x128xf32, #tpu.memory_space<vmem_shared>> -> memref<10240x128xf32, #tpu.memory_space<vmem_shared>>
        tpu.enqueue_indirect_dma source(%arg9 : memref<128x128xf32, #tpu.memory_space<vmem>>) target(%dma_start3A_115 : memref<10240x128xf32, #tpu.memory_space<vmem_shared>>) offsets(%dma_start3A_112 : memref<128xi32, #tpu.memory_space<vmem>>) semaphore(%run_scoped3A_109 : memref<!tpu.dma_semaphore, #tpu.memory_space<semaphore_mem>>) {add = true}
        %dma_wait3A_116 = arith.constant 0 : i32
        %dma_wait3A_117 = tpu.memref_slice %arg5[%run_scoped3A, %dma_wait3A_116] : memref<2x128xi32, #tpu.memory_space<vmem>> -> memref<1x128xi32, #tpu.memory_space<vmem>>
        %dma_wait3A_118 = tpu.memref_squeeze %dma_wait3A_117 : memref<1x128xi32, #tpu.memory_space<vmem>> -> memref<128xi32, #tpu.memory_space<vmem>>
        %dma_wait3A_119 = arith.constant 0 : i32
        %dma_wait3A_120 = arith.constant 0 : i32
        %dma_wait3A_121 = tpu.memref_slice %arg11[%dma_wait3A_119, %dma_wait3A_120] : memref<10240x128xf32, #tpu.memory_space<vmem_shared>> -> memref<10240x128xf32, #tpu.memory_space<vmem_shared>>
        tpu.wait_indirect_dma semaphore(%run_scoped3A_109 : memref<!tpu.dma_semaphore, #tpu.memory_space<semaphore_mem>>) src(%arg9 : memref<128x128xf32, #tpu.memory_space<vmem>>) dst(%dma_wait3A_121 : memref<10240x128xf32, #tpu.memory_space<vmem_shared>>)
        tpu.yield
      }) : () -> ()
      %add3A_92 = arith.constant 2 : i32
      %add3A_93 = arith.addi %mul3A_70, %add3A_92 : i32
      %lt3A = arith.cmpi slt, %add3A_93, %select_n3A_8 : i32
      %convert_element_type3A = arith.extui %lt3A : i1 to i32
      %cond3A = arith.constant 0 : i32
      %cond3A_94 = arith.cmpi ne, %convert_element_type3A, %cond3A : i32
      scf.if %cond3A_94 {
        %add3A_109 = arith.addi %select_n3A, %mul3A_70 : i32
        %add3A_110 = arith.constant 2 : i32
        %add3A_111 = arith.addi %add3A_109, %add3A_110 : i32
        %dma_start3A_112 = arith.constant 0 : i32
        %dma_start3A_113 = arith.constant 0 : i32
        %dma_start3A_114 = tpu.memref_slice %arg3[%add3A_111, %dma_start3A_112, %dma_start3A_113] : memref<2624x2x128xi32, #tpu.memory_space<hbm>> -> memref<1x2x128xi32, #tpu.memory_space<hbm>>
        %dma_start3A_115 = tpu.memref_squeeze %dma_start3A_114 : memref<1x2x128xi32, #tpu.memory_space<hbm>> -> memref<2x128xi32, #tpu.memory_space<hbm>>
        %dma_start3A_116 = arith.constant 0 : i32
        %dma_start3A_117 = arith.constant 0 : i32
        %dma_start3A_118 = tpu.memref_slice %arg3[%add3A_111, %dma_start3A_116, %dma_start3A_117] : memref<2624x2x128xi32, #tpu.memory_space<hbm>> -> memref<1x2x128xi32, #tpu.memory_space<hbm>>
        %dma_start3A_119 = tpu.memref_squeeze %dma_start3A_118 : memref<1x2x128xi32, #tpu.memory_space<hbm>> -> memref<2x128xi32, #tpu.memory_space<hbm>>
        tpu.enqueue_dma source(%dma_start3A_119 : memref<2x128xi32, #tpu.memory_space<hbm>>) target(%arg5 : memref<2x128xi32, #tpu.memory_space<vmem>>) target_semaphore(%arg12 : memref<!tpu.dma_semaphore, #tpu.memory_space<semaphore_mem>>)
        %dma_wait3A_120 = arith.constant 0 : i32
        %dma_wait3A_121 = arith.constant 0 : i32
        %dma_wait3A_122 = tpu.memref_slice %arg3[%select_n3A, %dma_wait3A_120, %dma_wait3A_121] : memref<2624x2x128xi32, #tpu.memory_space<hbm>> -> memref<1x2x128xi32, #tpu.memory_space<hbm>>
        %dma_wait3A_123 = tpu.memref_squeeze %dma_wait3A_122 : memref<1x2x128xi32, #tpu.memory_space<hbm>> -> memref<2x128xi32, #tpu.memory_space<hbm>>
        %dma_wait3A_124 = arith.constant 0 : i32
        %dma_wait3A_125 = arith.constant 0 : i32
        %dma_wait3A_126 = tpu.memref_slice %arg3[%select_n3A, %dma_wait3A_124, %dma_wait3A_125] : memref<2624x2x128xi32, #tpu.memory_space<hbm>> -> memref<1x2x128xi32, #tpu.memory_space<hbm>>
        %dma_wait3A_127 = tpu.memref_squeeze %dma_wait3A_126 : memref<1x2x128xi32, #tpu.memory_space<hbm>> -> memref<2x128xi32, #tpu.memory_space<hbm>>
        tpu.wait_dma2 semaphore(%arg12 : memref<!tpu.dma_semaphore, #tpu.memory_space<semaphore_mem>>) src(%dma_wait3A_127 : memref<2x128xi32, #tpu.memory_space<hbm>>) dst(%arg5 : memref<2x128xi32, #tpu.memory_space<vmem>>)
        %dma_start3A_128 = arith.constant 0 : i32
        %dma_start3A_129 = arith.constant 0 : i32
        %dma_start3A_130 = tpu.memref_slice %arg5[%dma_start3A_128, %dma_start3A_129] : memref<2x128xi32, #tpu.memory_space<vmem>> -> memref<1x128xi32, #tpu.memory_space<vmem>>
        %dma_start3A_131 = tpu.memref_squeeze %dma_start3A_130 : memref<1x128xi32, #tpu.memory_space<vmem>> -> memref<128xi32, #tpu.memory_space<vmem>>
        %dma_start3A_132 = arith.constant 0 : i32
        %dma_start3A_133 = arith.constant 0 : i32
        %dma_start3A_134 = tpu.memref_slice %arg2[%dma_start3A_132, %dma_start3A_133] : memref<10240x128xf32, #tpu.memory_space<hbm>> -> memref<10240x128xf32, #tpu.memory_space<hbm>>
        tpu.enqueue_indirect_dma source(%dma_start3A_134 : memref<10240x128xf32, #tpu.memory_space<hbm>>) target(%arg9 : memref<128x128xf32, #tpu.memory_space<vmem>>) offsets(%dma_start3A_131 : memref<128xi32, #tpu.memory_space<vmem>>) semaphore(%arg16 : memref<!tpu.dma_semaphore, #tpu.memory_space<semaphore_mem>>)
      } else {
      }
      %dma_wait3A_95 = arith.constant 0 : i32
      %dma_wait3A_96 = arith.constant 0 : i32
      %dma_wait3A_97 = tpu.memref_slice %arg6[%dma_wait3A_95, %dma_wait3A_96] : memref<2x128xi32, #tpu.memory_space<vmem>> -> memref<1x128xi32, #tpu.memory_space<vmem>>
      %dma_wait3A_98 = tpu.memref_squeeze %dma_wait3A_97 : memref<1x128xi32, #tpu.memory_space<vmem>> -> memref<128xi32, #tpu.memory_space<vmem>>
      %dma_wait3A_99 = arith.constant 0 : i32
      %dma_wait3A_100 = arith.constant 0 : i32
      %dma_wait3A_101 = tpu.memref_slice %arg2[%dma_wait3A_99, %dma_wait3A_100] : memref<10240x128xf32, #tpu.memory_space<hbm>> -> memref<10240x128xf32, #tpu.memory_space<hbm>>
      tpu.wait_indirect_dma semaphore(%arg17 : memref<!tpu.dma_semaphore, #tpu.memory_space<semaphore_mem>>) src(%dma_wait3A_101 : memref<10240x128xf32, #tpu.memory_space<hbm>>) dst(%arg10 : memref<128x128xf32, #tpu.memory_space<vmem>>)
      %run_scoped3A_102 = arith.constant 1 : i32
      "tpu.region"() ({
        %run_scoped3A_109 = tpu.sem_alloc : memref<!tpu.dma_semaphore, #tpu.memory_space<semaphore_mem>>
        %dma_start3A_110 = arith.constant 0 : i32
        %dma_start3A_111 = tpu.memref_slice %arg6[%run_scoped3A_102, %dma_start3A_110] : memref<2x128xi32, #tpu.memory_space<vmem>> -> memref<1x128xi32, #tpu.memory_space<vmem>>
        %dma_start3A_112 = tpu.memref_squeeze %dma_start3A_111 : memref<1x128xi32, #tpu.memory_space<vmem>> -> memref<128xi32, #tpu.memory_space<vmem>>
        %dma_start3A_113 = arith.constant 0 : i32
        %dma_start3A_114 = arith.constant 0 : i32
        %dma_start3A_115 = tpu.memref_slice %arg11[%dma_start3A_113, %dma_start3A_114] : memref<10240x128xf32, #tpu.memory_space<vmem_shared>> -> memref<10240x128xf32, #tpu.memory_space<vmem_shared>>
        tpu.enqueue_indirect_dma source(%arg10 : memref<128x128xf32, #tpu.memory_space<vmem>>) target(%dma_start3A_115 : memref<10240x128xf32, #tpu.memory_space<vmem_shared>>) offsets(%dma_start3A_112 : memref<128xi32, #tpu.memory_space<vmem>>) semaphore(%run_scoped3A_109 : memref<!tpu.dma_semaphore, #tpu.memory_space<semaphore_mem>>) {add = true}
        %dma_wait3A_116 = arith.constant 0 : i32
        %dma_wait3A_117 = tpu.memref_slice %arg6[%run_scoped3A_102, %dma_wait3A_116] : memref<2x128xi32, #tpu.memory_space<vmem>> -> memref<1x128xi32, #tpu.memory_space<vmem>>
        %dma_wait3A_118 = tpu.memref_squeeze %dma_wait3A_117 : memref<1x128xi32, #tpu.memory_space<vmem>> -> memref<128xi32, #tpu.memory_space<vmem>>
        %dma_wait3A_119 = arith.constant 0 : i32
        %dma_wait3A_120 = arith.constant 0 : i32
        %dma_wait3A_121 = tpu.memref_slice %arg11[%dma_wait3A_119, %dma_wait3A_120] : memref<10240x128xf32, #tpu.memory_space<vmem_shared>> -> memref<10240x128xf32, #tpu.memory_space<vmem_shared>>
        tpu.wait_indirect_dma semaphore(%run_scoped3A_109 : memref<!tpu.dma_semaphore, #tpu.memory_space<semaphore_mem>>) src(%arg10 : memref<128x128xf32, #tpu.memory_space<vmem>>) dst(%dma_wait3A_121 : memref<10240x128xf32, #tpu.memory_space<vmem_shared>>)
        tpu.yield
      }) : () -> ()
      %add3A_103 = arith.constant 3 : i32
      %add3A_104 = arith.addi %mul3A_70, %add3A_103 : i32
      %lt3A_105 = arith.cmpi slt, %add3A_104, %select_n3A_8 : i32
      %convert_element_type3A_106 = arith.extui %lt3A_105 : i1 to i32
      %cond3A_107 = arith.constant 0 : i32
      %cond3A_108 = arith.cmpi ne, %convert_element_type3A_106, %cond3A_107 : i32
      scf.if %cond3A_108 {
        %add3A_109 = arith.addi %select_n3A, %mul3A_70 : i32
        %add3A_110 = arith.constant 3 : i32
        %add3A_111 = arith.addi %add3A_109, %add3A_110 : i32
        %dma_start3A_112 = arith.constant 0 : i32
        %dma_start3A_113 = arith.constant 0 : i32
        %dma_start3A_114 = tpu.memref_slice %arg3[%add3A_111, %dma_start3A_112, %dma_start3A_113] : memref<2624x2x128xi32, #tpu.memory_space<hbm>> -> memref<1x2x128xi32, #tpu.memory_space<hbm>>
        %dma_start3A_115 = tpu.memref_squeeze %dma_start3A_114 : memref<1x2x128xi32, #tpu.memory_space<hbm>> -> memref<2x128xi32, #tpu.memory_space<hbm>>
        %dma_start3A_116 = arith.constant 0 : i32
        %dma_start3A_117 = arith.constant 0 : i32
        %dma_start3A_118 = tpu.memref_slice %arg3[%add3A_111, %dma_start3A_116, %dma_start3A_117] : memref<2624x2x128xi32, #tpu.memory_space<hbm>> -> memref<1x2x128xi32, #tpu.memory_space<hbm>>
        %dma_start3A_119 = tpu.memref_squeeze %dma_start3A_118 : memref<1x2x128xi32, #tpu.memory_space<hbm>> -> memref<2x128xi32, #tpu.memory_space<hbm>>
        tpu.enqueue_dma source(%dma_start3A_119 : memref<2x128xi32, #tpu.memory_space<hbm>>) target(%arg6 : memref<2x128xi32, #tpu.memory_space<vmem>>) target_semaphore(%arg13 : memref<!tpu.dma_semaphore, #tpu.memory_space<semaphore_mem>>)
      } else {
      }
    }
    %while3A_62 = arith.constant 1 : i32
    scf.for %while3A_68 = %while3A_60 to %while3A_56 step %while3A_62  : i32 {
      %mul3A_69 = arith.constant 2 : i32
      %mul3A_70 = arith.muli %mul3A_69, %while3A_68 : i32
      %dma_wait3A = arith.constant 0 : i32
      %dma_wait3A_71 = arith.constant 0 : i32
      %dma_wait3A_72 = tpu.memref_slice %arg3[%select_n3A, %dma_wait3A, %dma_wait3A_71] : memref<2624x2x128xi32, #tpu.memory_space<hbm>> -> memref<1x2x128xi32, #tpu.memory_space<hbm>>
      %dma_wait3A_73 = tpu.memref_squeeze %dma_wait3A_72 : memref<1x2x128xi32, #tpu.memory_space<hbm>> -> memref<2x128xi32, #tpu.memory_space<hbm>>
      %dma_wait3A_74 = arith.constant 0 : i32
      %dma_wait3A_75 = arith.constant 0 : i32
      %dma_wait3A_76 = tpu.memref_slice %arg3[%select_n3A, %dma_wait3A_74, %dma_wait3A_75] : memref<2624x2x128xi32, #tpu.memory_space<hbm>> -> memref<1x2x128xi32, #tpu.memory_space<hbm>>
      %dma_wait3A_77 = tpu.memref_squeeze %dma_wait3A_76 : memref<1x2x128xi32, #tpu.memory_space<hbm>> -> memref<2x128xi32, #tpu.memory_space<hbm>>
      tpu.wait_dma2 semaphore(%arg13 : memref<!tpu.dma_semaphore, #tpu.memory_space<semaphore_mem>>) src(%dma_wait3A_77 : memref<2x128xi32, #tpu.memory_space<hbm>>) dst(%arg6 : memref<2x128xi32, #tpu.memory_space<vmem>>)
      %dma_start3A_78 = arith.constant 0 : i32
      %dma_start3A_79 = arith.constant 0 : i32
      %dma_start3A_80 = tpu.memref_slice %arg6[%dma_start3A_78, %dma_start3A_79] : memref<2x128xi32, #tpu.memory_space<vmem>> -> memref<1x128xi32, #tpu.memory_space<vmem>>
      %dma_start3A_81 = tpu.memref_squeeze %dma_start3A_80 : memref<1x128xi32, #tpu.memory_space<vmem>> -> memref<128xi32, #tpu.memory_space<vmem>>
      %dma_start3A_82 = arith.constant 0 : i32
      %dma_start3A_83 = arith.constant 0 : i32
      %dma_start3A_84 = tpu.memref_slice %arg2[%dma_start3A_82, %dma_start3A_83] : memref<10240x128xf32, #tpu.memory_space<hbm>> -> memref<10240x128xf32, #tpu.memory_space<hbm>>
      tpu.enqueue_indirect_dma source(%dma_start3A_84 : memref<10240x128xf32, #tpu.memory_space<hbm>>) target(%arg10 : memref<128x128xf32, #tpu.memory_space<vmem>>) offsets(%dma_start3A_81 : memref<128xi32, #tpu.memory_space<vmem>>) semaphore(%arg17 : memref<!tpu.dma_semaphore, #tpu.memory_space<semaphore_mem>>)
      %dma_wait3A_85 = arith.constant 0 : i32
      %dma_wait3A_86 = arith.constant 0 : i32
      %dma_wait3A_87 = tpu.memref_slice %arg5[%dma_wait3A_85, %dma_wait3A_86] : memref<2x128xi32, #tpu.memory_space<vmem>> -> memref<1x128xi32, #tpu.memory_space<vmem>>
      %dma_wait3A_88 = tpu.memref_squeeze %dma_wait3A_87 : memref<1x128xi32, #tpu.memory_space<vmem>> -> memref<128xi32, #tpu.memory_space<vmem>>
      %dma_wait3A_89 = arith.constant 0 : i32
      %dma_wait3A_90 = arith.constant 0 : i32
      %dma_wait3A_91 = tpu.memref_slice %arg2[%dma_wait3A_89, %dma_wait3A_90] : memref<10240x128xf32, #tpu.memory_space<hbm>> -> memref<10240x128xf32, #tpu.memory_space<hbm>>
      tpu.wait_indirect_dma semaphore(%arg16 : memref<!tpu.dma_semaphore, #tpu.memory_space<semaphore_mem>>) src(%dma_wait3A_91 : memref<10240x128xf32, #tpu.memory_space<hbm>>) dst(%arg9 : memref<128x128xf32, #tpu.memory_space<vmem>>)
      %run_scoped3A = arith.constant 1 : i32
      "tpu.region"() ({
        %run_scoped3A_109 = tpu.sem_alloc : memref<!tpu.dma_semaphore, #tpu.memory_space<semaphore_mem>>
        %dma_start3A_110 = arith.constant 0 : i32
        %dma_start3A_111 = tpu.memref_slice %arg5[%run_scoped3A, %dma_start3A_110] : memref<2x128xi32, #tpu.memory_space<vmem>> -> memref<1x128xi32, #tpu.memory_space<vmem>>
        %dma_start3A_112 = tpu.memref_squeeze %dma_start3A_111 : memref<1x128xi32, #tpu.memory_space<vmem>> -> memref<128xi32, #tpu.memory_space<vmem>>
        %dma_start3A_113 = arith.constant 0 : i32
        %dma_start3A_114 = arith.constant 0 : i32
        %dma_start3A_115 = tpu.memref_slice %arg11[%dma_start3A_113, %dma_start3A_114] : memref<10240x128xf32, #tpu.memory_space<vmem_shared>> -> memref<10240x128xf32, #tpu.memory_space<vmem_shared>>
        tpu.enqueue_indirect_dma source(%arg9 : memref<128x128xf32, #tpu.memory_space<vmem>>) target(%dma_start3A_115 : memref<10240x128xf32, #tpu.memory_space<vmem_shared>>) offsets(%dma_start3A_112 : memref<128xi32, #tpu.memory_space<vmem>>) semaphore(%run_scoped3A_109 : memref<!tpu.dma_semaphore, #tpu.memory_space<semaphore_mem>>) {add = true}
        %dma_wait3A_116 = arith.constant 0 : i32
        %dma_wait3A_117 = tpu.memref_slice %arg5[%run_scoped3A, %dma_wait3A_116] : memref<2x128xi32, #tpu.memory_space<vmem>> -> memref<1x128xi32, #tpu.memory_space<vmem>>
        %dma_wait3A_118 = tpu.memref_squeeze %dma_wait3A_117 : memref<1x128xi32, #tpu.memory_space<vmem>> -> memref<128xi32, #tpu.memory_space<vmem>>
        %dma_wait3A_119 = arith.constant 0 : i32
        %dma_wait3A_120 = arith.constant 0 : i32
        %dma_wait3A_121 = tpu.memref_slice %arg11[%dma_wait3A_119, %dma_wait3A_120] : memref<10240x128xf32, #tpu.memory_space<vmem_shared>> -> memref<10240x128xf32, #tpu.memory_space<vmem_shared>>
        tpu.wait_indirect_dma semaphore(%run_scoped3A_109 : memref<!tpu.dma_semaphore, #tpu.memory_space<semaphore_mem>>) src(%arg9 : memref<128x128xf32, #tpu.memory_space<vmem>>) dst(%dma_wait3A_121 : memref<10240x128xf32, #tpu.memory_space<vmem_shared>>)
        tpu.yield
      }) : () -> ()
      %add3A_92 = arith.constant 2 : i32
      %add3A_93 = arith.addi %mul3A_70, %add3A_92 : i32
      %lt3A = arith.cmpi slt, %add3A_93, %select_n3A_8 : i32
      %convert_element_type3A = arith.extui %lt3A : i1 to i32
      %cond3A = arith.constant 0 : i32
      %cond3A_94 = arith.cmpi ne, %convert_element_type3A, %cond3A : i32
      scf.if %cond3A_94 {
        %add3A_109 = arith.addi %select_n3A, %mul3A_70 : i32
        %add3A_110 = arith.constant 2 : i32
        %add3A_111 = arith.addi %add3A_109, %add3A_110 : i32
        %dma_start3A_112 = arith.constant 0 : i32
        %dma_start3A_113 = arith.constant 0 : i32
        %dma_start3A_114 = tpu.memref_slice %arg3[%add3A_111, %dma_start3A_112, %dma_start3A_113] : memref<2624x2x128xi32, #tpu.memory_space<hbm>> -> memref<1x2x128xi32, #tpu.memory_space<hbm>>
        %dma_start3A_115 = tpu.memref_squeeze %dma_start3A_114 : memref<1x2x128xi32, #tpu.memory_space<hbm>> -> memref<2x128xi32, #tpu.memory_space<hbm>>
        %dma_start3A_116 = arith.constant 0 : i32
        %dma_start3A_117 = arith.constant 0 : i32
        %dma_start3A_118 = tpu.memref_slice %arg3[%add3A_111, %dma_start3A_116, %dma_start3A_117] : memref<2624x2x128xi32, #tpu.memory_space<hbm>> -> memref<1x2x128xi32, #tpu.memory_space<hbm>>
        %dma_start3A_119 = tpu.memref_squeeze %dma_start3A_118 : memref<1x2x128xi32, #tpu.memory_space<hbm>> -> memref<2x128xi32, #tpu.memory_space<hbm>>
        tpu.enqueue_dma source(%dma_start3A_119 : memref<2x128xi32, #tpu.memory_space<hbm>>) target(%arg5 : memref<2x128xi32, #tpu.memory_space<vmem>>) target_semaphore(%arg12 : memref<!tpu.dma_semaphore, #tpu.memory_space<semaphore_mem>>)
        %dma_wait3A_120 = arith.constant 0 : i32
        %dma_wait3A_121 = arith.constant 0 : i32
        %dma_wait3A_122 = tpu.memref_slice %arg3[%select_n3A, %dma_wait3A_120, %dma_wait3A_121] : memref<2624x2x128xi32, #tpu.memory_space<hbm>> -> memref<1x2x128xi32, #tpu.memory_space<hbm>>
        %dma_wait3A_123 = tpu.memref_squeeze %dma_wait3A_122 : memref<1x2x128xi32, #tpu.memory_space<hbm>> -> memref<2x128xi32, #tpu.memory_space<hbm>>
        %dma_wait3A_124 = arith.constant 0 : i32
        %dma_wait3A_125 = arith.constant 0 : i32
        %dma_wait3A_126 = tpu.memref_slice %arg3[%select_n3A, %dma_wait3A_124, %dma_wait3A_125] : memref<2624x2x128xi32, #tpu.memory_space<hbm>> -> memref<1x2x128xi32, #tpu.memory_space<hbm>>
        %dma_wait3A_127 = tpu.memref_squeeze %dma_wait3A_126 : memref<1x2x128xi32, #tpu.memory_space<hbm>> -> memref<2x128xi32, #tpu.memory_space<hbm>>
        tpu.wait_dma2 semaphore(%arg12 : memref<!tpu.dma_semaphore, #tpu.memory_space<semaphore_mem>>) src(%dma_wait3A_127 : memref<2x128xi32, #tpu.memory_space<hbm>>) dst(%arg5 : memref<2x128xi32, #tpu.memory_space<vmem>>)
        %dma_start3A_128 = arith.constant 0 : i32
        %dma_start3A_129 = arith.constant 0 : i32
        %dma_start3A_130 = tpu.memref_slice %arg5[%dma_start3A_128, %dma_start3A_129] : memref<2x128xi32, #tpu.memory_space<vmem>> -> memref<1x128xi32, #tpu.memory_space<vmem>>
        %dma_start3A_131 = tpu.memref_squeeze %dma_start3A_130 : memref<1x128xi32, #tpu.memory_space<vmem>> -> memref<128xi32, #tpu.memory_space<vmem>>
        %dma_start3A_132 = arith.constant 0 : i32
        %dma_start3A_133 = arith.constant 0 : i32
        %dma_start3A_134 = tpu.memref_slice %arg2[%dma_start3A_132, %dma_start3A_133] : memref<10240x128xf32, #tpu.memory_space<hbm>> -> memref<10240x128xf32, #tpu.memory_space<hbm>>
        tpu.enqueue_indirect_dma source(%dma_start3A_134 : memref<10240x128xf32, #tpu.memory_space<hbm>>) target(%arg9 : memref<128x128xf32, #tpu.memory_space<vmem>>) offsets(%dma_start3A_131 : memref<128xi32, #tpu.memory_space<vmem>>) semaphore(%arg16 : memref<!tpu.dma_semaphore, #tpu.memory_space<semaphore_mem>>)
      } else {
      }
      %dma_wait3A_95 = arith.constant 0 : i32
      %dma_wait3A_96 = arith.constant 0 : i32
      %dma_wait3A_97 = tpu.memref_slice %arg6[%dma_wait3A_95, %dma_wait3A_96] : memref<2x128xi32, #tpu.memory_space<vmem>> -> memref<1x128xi32, #tpu.memory_space<vmem>>
      %dma_wait3A_98 = tpu.memref_squeeze %dma_wait3A_97 : memref<1x128xi32, #tpu.memory_space<vmem>> -> memref<128xi32, #tpu.memory_space<vmem>>
      %dma_wait3A_99 = arith.constant 0 : i32
      %dma_wait3A_100 = arith.constant 0 : i32
      %dma_wait3A_101 = tpu.memref_slice %arg2[%dma_wait3A_99, %dma_wait3A_100] : memref<10240x128xf32, #tpu.memory_space<hbm>> -> memref<10240x128xf32, #tpu.memory_space<hbm>>
      tpu.wait_indirect_dma semaphore(%arg17 : memref<!tpu.dma_semaphore, #tpu.memory_space<semaphore_mem>>) src(%dma_wait3A_101 : memref<10240x128xf32, #tpu.memory_space<hbm>>) dst(%arg10 : memref<128x128xf32, #tpu.memory_space<vmem>>)
      %run_scoped3A_102 = arith.constant 1 : i32
      "tpu.region"() ({
        %run_scoped3A_109 = tpu.sem_alloc : memref<!tpu.dma_semaphore, #tpu.memory_space<semaphore_mem>>
        %dma_start3A_110 = arith.constant 0 : i32
        %dma_start3A_111 = tpu.memref_slice %arg6[%run_scoped3A_102, %dma_start3A_110] : memref<2x128xi32, #tpu.memory_space<vmem>> -> memref<1x128xi32, #tpu.memory_space<vmem>>
        %dma_start3A_112 = tpu.memref_squeeze %dma_start3A_111 : memref<1x128xi32, #tpu.memory_space<vmem>> -> memref<128xi32, #tpu.memory_space<vmem>>
        %dma_start3A_113 = arith.constant 0 : i32
        %dma_start3A_114 = arith.constant 0 : i32
        %dma_start3A_115 = tpu.memref_slice %arg11[%dma_start3A_113, %dma_start3A_114] : memref<10240x128xf32, #tpu.memory_space<vmem_shared>> -> memref<10240x128xf32, #tpu.memory_space<vmem_shared>>
        tpu.enqueue_indirect_dma source(%arg10 : memref<128x128xf32, #tpu.memory_space<vmem>>) target(%dma_start3A_115 : memref<10240x128xf32, #tpu.memory_space<vmem_shared>>) offsets(%dma_start3A_112 : memref<128xi32, #tpu.memory_space<vmem>>) semaphore(%run_scoped3A_109 : memref<!tpu.dma_semaphore, #tpu.memory_space<semaphore_mem>>) {add = true}
        %dma_wait3A_116 = arith.constant 0 : i32
        %dma_wait3A_117 = tpu.memref_slice %arg6[%run_scoped3A_102, %dma_wait3A_116] : memref<2x128xi32, #tpu.memory_space<vmem>> -> memref<1x128xi32, #tpu.memory_space<vmem>>
        %dma_wait3A_118 = tpu.memref_squeeze %dma_wait3A_117 : memref<1x128xi32, #tpu.memory_space<vmem>> -> memref<128xi32, #tpu.memory_space<vmem>>
        %dma_wait3A_119 = arith.constant 0 : i32
        %dma_wait3A_120 = arith.constant 0 : i32
        %dma_wait3A_121 = tpu.memref_slice %arg11[%dma_wait3A_119, %dma_wait3A_120] : memref<10240x128xf32, #tpu.memory_space<vmem_shared>> -> memref<10240x128xf32, #tpu.memory_space<vmem_shared>>
        tpu.wait_indirect_dma semaphore(%run_scoped3A_109 : memref<!tpu.dma_semaphore, #tpu.memory_space<semaphore_mem>>) src(%arg10 : memref<128x128xf32, #tpu.memory_space<vmem>>) dst(%dma_wait3A_121 : memref<10240x128xf32, #tpu.memory_space<vmem_shared>>)
        tpu.yield
      }) : () -> ()
      %add3A_103 = arith.constant 3 : i32
      %add3A_104 = arith.addi %mul3A_70, %add3A_103 : i32
      %lt3A_105 = arith.cmpi slt, %add3A_104, %select_n3A_8 : i32
      %convert_element_type3A_106 = arith.extui %lt3A_105 : i1 to i32
      %cond3A_107 = arith.constant 0 : i32
      %cond3A_108 = arith.cmpi ne, %convert_element_type3A_106, %cond3A_107 : i32
      scf.if %cond3A_108 {
        %add3A_109 = arith.addi %select_n3A, %mul3A_70 : i32
        %add3A_110 = arith.constant 3 : i32
        %add3A_111 = arith.addi %add3A_109, %add3A_110 : i32
        %dma_start3A_112 = arith.constant 0 : i32
        %dma_start3A_113 = arith.constant 0 : i32
        %dma_start3A_114 = tpu.memref_slice %arg3[%add3A_111, %dma_start3A_112, %dma_start3A_113] : memref<2624x2x128xi32, #tpu.memory_space<hbm>> -> memref<1x2x128xi32, #tpu.memory_space<hbm>>
        %dma_start3A_115 = tpu.memref_squeeze %dma_start3A_114 : memref<1x2x128xi32, #tpu.memory_space<hbm>> -> memref<2x128xi32, #tpu.memory_space<hbm>>
        %dma_start3A_116 = arith.constant 0 : i32
        %dma_start3A_117 = arith.constant 0 : i32
        %dma_start3A_118 = tpu.memref_slice %arg3[%add3A_111, %dma_start3A_116, %dma_start3A_117] : memref<2624x2x128xi32, #tpu.memory_space<hbm>> -> memref<1x2x128xi32, #tpu.memory_space<hbm>>
        %dma_start3A_119 = tpu.memref_squeeze %dma_start3A_118 : memref<1x2x128xi32, #tpu.memory_space<hbm>> -> memref<2x128xi32, #tpu.memory_space<hbm>>
        tpu.enqueue_dma source(%dma_start3A_119 : memref<2x128xi32, #tpu.memory_space<hbm>>) target(%arg6 : memref<2x128xi32, #tpu.memory_space<vmem>>) target_semaphore(%arg13 : memref<!tpu.dma_semaphore, #tpu.memory_space<semaphore_mem>>)
      } else {
      }
    }
    %barrier3A_63 = arith.constant 0 : index
    tpu.barrier barrier_id(%barrier3A_63)
    %mul3A_64 = arith.constant 640 : i32
    %mul3A_65 = arith.muli %arg1, %mul3A_64 : i32
    %mul3A_66 = arith.constant 640 : i32
    %mul3A_67 = arith.muli %arg1, %mul3A_66 : i32
    "tpu.region"() ({
      %run_scoped3A = tpu.sem_alloc : memref<!tpu.dma_semaphore, #tpu.memory_space<semaphore_mem>>
      %dma_start3A_68 = arith.constant 0 : i32
      %dma_start3A_69 = tpu.memref_slice %arg4[%arg0, %mul3A_67, %dma_start3A_68] : memref<2x10240x128xf32, #tpu.memory_space<hbm>> -> memref<1x640x128xf32, #tpu.memory_space<hbm>>
      %dma_start3A_70 = tpu.memref_squeeze %dma_start3A_69 : memref<1x640x128xf32, #tpu.memory_space<hbm>> -> memref<640x128xf32, #tpu.memory_space<hbm>>
      %dma_start3A_71 = arith.constant 0 : i32
      %dma_start3A_72 = tpu.memref_slice %arg11[%mul3A_65, %dma_start3A_71] : memref<10240x128xf32, #tpu.memory_space<vmem_shared>> -> memref<640x128xf32, #tpu.memory_space<vmem_shared>>
      tpu.enqueue_dma source(%dma_start3A_72 : memref<640x128xf32, #tpu.memory_space<vmem_shared>>) target(%dma_start3A_70 : memref<640x128xf32, #tpu.memory_space<hbm>>) target_semaphore(%run_scoped3A : memref<!tpu.dma_semaphore, #tpu.memory_space<semaphore_mem>>)
      %dma_wait3A = arith.constant 0 : i32
      %dma_wait3A_73 = tpu.memref_slice %arg4[%arg0, %mul3A_67, %dma_wait3A] : memref<2x10240x128xf32, #tpu.memory_space<hbm>> -> memref<1x640x128xf32, #tpu.memory_space<hbm>>
      %dma_wait3A_74 = tpu.memref_squeeze %dma_wait3A_73 : memref<1x640x128xf32, #tpu.memory_space<hbm>> -> memref<640x128xf32, #tpu.memory_space<hbm>>
      %dma_wait3A_75 = arith.constant 0 : i32
      %dma_wait3A_76 = tpu.memref_slice %arg11[%mul3A_65, %dma_wait3A_75] : memref<10240x128xf32, #tpu.memory_space<vmem_shared>> -> memref<640x128xf32, #tpu.memory_space<vmem_shared>>
      tpu.wait_dma2 semaphore(%run_scoped3A : memref<!tpu.dma_semaphore, #tpu.memory_space<semaphore_mem>>) src(%dma_wait3A_76 : memref<640x128xf32, #tpu.memory_space<vmem_shared>>) dst(%dma_wait3A_74 : memref<640x128xf32, #tpu.memory_space<hbm>>)
      tpu.yield
    }) : () -> ()
    return
  }
}

#map = affine_map<(d0, d1) -> (0, 0)>
module attributes {stable_mosaic.version = 14 : i64} {
  func.func @_deg_body(%arg0: i32, %arg1: i32, %arg2: memref<32x10496xi32, #tpu.memory_space<hbm>>, %arg3: memref<32x10240xf32, #tpu.memory_space<hbm>>, %arg4: memref<10496xi32, #tpu.memory_space<vmem>>, %arg5: memref<10240xf32, #tpu.memory_space<vmem>>, %arg6: memref<!tpu.dma_semaphore, #tpu.memory_space<semaphore_mem>>) attributes {dimension_semantics = [#tpu.dimension_semantics<core_parallel>, #tpu.dimension_semantics<subcore_parallel>], iteration_bounds = array<i64: 2, 16>, scalar_prefetch = 0 : i64, scratch_operands = 3 : i64, tpu.core_type = #tpu.core_type<sc_vector_subcore>, window_params = [{transform_indices = #map}, {transform_indices = #map}]} {
    %mul3A = arith.constant 16 : i32
    %mul3A_0 = arith.muli %arg0, %mul3A : i32
    %add3A = arith.addi %mul3A_0, %arg1 : i32
    "tpu.region"() ({
      %run_scoped3A = tpu.sem_alloc : memref<!tpu.dma_semaphore, #tpu.memory_space<semaphore_mem>>
      %dma_start3A = arith.constant 0 : i32
      %dma_start3A_13 = tpu.memref_slice %arg2[%add3A, %dma_start3A] : memref<32x10496xi32, #tpu.memory_space<hbm>> -> memref<1x10496xi32, #tpu.memory_space<hbm>>
      %dma_start3A_14 = tpu.memref_squeeze %dma_start3A_13 : memref<1x10496xi32, #tpu.memory_space<hbm>> -> memref<10496xi32, #tpu.memory_space<hbm>>
      %dma_start3A_15 = arith.constant 0 : i32
      %dma_start3A_16 = tpu.memref_slice %arg2[%add3A, %dma_start3A_15] : memref<32x10496xi32, #tpu.memory_space<hbm>> -> memref<1x10496xi32, #tpu.memory_space<hbm>>
      %dma_start3A_17 = tpu.memref_squeeze %dma_start3A_16 : memref<1x10496xi32, #tpu.memory_space<hbm>> -> memref<10496xi32, #tpu.memory_space<hbm>>
      tpu.enqueue_dma source(%dma_start3A_17 : memref<10496xi32, #tpu.memory_space<hbm>>) target(%arg4 : memref<10496xi32, #tpu.memory_space<vmem>>) target_semaphore(%run_scoped3A : memref<!tpu.dma_semaphore, #tpu.memory_space<semaphore_mem>>)
      %dma_wait3A = arith.constant 0 : i32
      %dma_wait3A_18 = tpu.memref_slice %arg2[%add3A, %dma_wait3A] : memref<32x10496xi32, #tpu.memory_space<hbm>> -> memref<1x10496xi32, #tpu.memory_space<hbm>>
      %dma_wait3A_19 = tpu.memref_squeeze %dma_wait3A_18 : memref<1x10496xi32, #tpu.memory_space<hbm>> -> memref<10496xi32, #tpu.memory_space<hbm>>
      %dma_wait3A_20 = arith.constant 0 : i32
      %dma_wait3A_21 = tpu.memref_slice %arg2[%add3A, %dma_wait3A_20] : memref<32x10496xi32, #tpu.memory_space<hbm>> -> memref<1x10496xi32, #tpu.memory_space<hbm>>
      %dma_wait3A_22 = tpu.memref_squeeze %dma_wait3A_21 : memref<1x10496xi32, #tpu.memory_space<hbm>> -> memref<10496xi32, #tpu.memory_space<hbm>>
      tpu.wait_dma2 semaphore(%run_scoped3A : memref<!tpu.dma_semaphore, #tpu.memory_space<semaphore_mem>>) src(%dma_wait3A_22 : memref<10496xi32, #tpu.memory_space<hbm>>) dst(%arg4 : memref<10496xi32, #tpu.memory_space<vmem>>)
      tpu.yield
    }) : () -> ()
    %scan3A = arith.constant 0 : i32
    %scan3A_1 = arith.constant 0 : i32
    %scan3A_2 = arith.constant 640 : i32
    %scan3A_3 = arith.addi %scan3A_1, %scan3A_2 : i32
    %scan3A_4 = arith.constant 1 : i32
    scf.for %scan3A_13 = %scan3A_1 to %scan3A_3 step %scan3A_4  : i32 {
      %broadcast_in_dim3A_14 = arith.constant 0.000000e+00 : f32
      %broadcast_in_dim3A_15 = vector.broadcast %broadcast_in_dim3A_14 : f32 to vector<16xf32>
      %mul3A_16 = arith.constant 16 : i32
      %mul3A_17 = arith.muli %scan3A_13, %mul3A_16 : i32
      %swap3A = arith.index_cast %mul3A_17 : i32 to index
      %swap3A_18 = tpu.vector_load %arg5[%swap3A] {strides = array<i32>} : memref<10240xf32, #tpu.memory_space<vmem>>, vector<16xf32>,
      tpu.vector_store %arg5[%swap3A], %broadcast_in_dim3A_15 {strides = array<i32>} : memref<10240xf32, #tpu.memory_space<vmem>>, vector<16xf32>,
    }
    %scan3A_5 = arith.constant 640 : i32
    %broadcast_in_dim3A = arith.constant 1.000000e+00 : f32
    %broadcast_in_dim3A_6 = vector.broadcast %broadcast_in_dim3A : f32 to vector<16xf32>
    %scan3A_7 = arith.constant 0 : i32
    %scan3A_8 = arith.constant 0 : i32
    %scan3A_9 = arith.constant 656 : i32
    %scan3A_10 = arith.addi %scan3A_8, %scan3A_9 : i32
    %scan3A_11 = arith.constant 1 : i32
    scf.for %scan3A_13 = %scan3A_8 to %scan3A_10 step %scan3A_11  : i32 {
      %mul3A_14 = arith.constant 16 : i32
      %mul3A_15 = arith.muli %scan3A_13, %mul3A_14 : i32
      %get3A = arith.index_cast %mul3A_15 : i32 to index
      %get3A_16 = tpu.vector_load %arg4[%get3A] {strides = array<i32>} : memref<10496xi32, #tpu.memory_space<vmem>>, vector<16xi32>,
      tpu.vector_store_idx %arg5[%get3A_16], %broadcast_in_dim3A_6 {add = true} : memref<10240xf32, #tpu.memory_space<vmem>>[vector<16xi32>], vector<16xf32>,
    }
    %scan3A_12 = arith.constant 656 : i32
    "tpu.region"() ({
      %run_scoped3A = tpu.sem_alloc : memref<!tpu.dma_semaphore, #tpu.memory_space<semaphore_mem>>
      %dma_start3A = arith.constant 0 : i32
      %dma_start3A_13 = tpu.memref_slice %arg3[%add3A, %dma_start3A] : memref<32x10240xf32, #tpu.memory_space<hbm>> -> memref<1x10240xf32, #tpu.memory_space<hbm>>
      %dma_start3A_14 = tpu.memref_squeeze %dma_start3A_13 : memref<1x10240xf32, #tpu.memory_space<hbm>> -> memref<10240xf32, #tpu.memory_space<hbm>>
      %dma_start3A_15 = arith.constant 0 : i32
      %dma_start3A_16 = tpu.memref_slice %arg3[%add3A, %dma_start3A_15] : memref<32x10240xf32, #tpu.memory_space<hbm>> -> memref<1x10240xf32, #tpu.memory_space<hbm>>
      %dma_start3A_17 = tpu.memref_squeeze %dma_start3A_16 : memref<1x10240xf32, #tpu.memory_space<hbm>> -> memref<10240xf32, #tpu.memory_space<hbm>>
      tpu.enqueue_dma source(%arg5 : memref<10240xf32, #tpu.memory_space<vmem>>) target(%dma_start3A_17 : memref<10240xf32, #tpu.memory_space<hbm>>) target_semaphore(%run_scoped3A : memref<!tpu.dma_semaphore, #tpu.memory_space<semaphore_mem>>)
      %dma_wait3A = arith.constant 0 : i32
      %dma_wait3A_18 = tpu.memref_slice %arg3[%add3A, %dma_wait3A] : memref<32x10240xf32, #tpu.memory_space<hbm>> -> memref<1x10240xf32, #tpu.memory_space<hbm>>
      %dma_wait3A_19 = tpu.memref_squeeze %dma_wait3A_18 : memref<1x10240xf32, #tpu.memory_space<hbm>> -> memref<10240xf32, #tpu.memory_space<hbm>>
      %dma_wait3A_20 = arith.constant 0 : i32
      %dma_wait3A_21 = tpu.memref_slice %arg3[%add3A, %dma_wait3A_20] : memref<32x10240xf32, #tpu.memory_space<hbm>> -> memref<1x10240xf32, #tpu.memory_space<hbm>>
      %dma_wait3A_22 = tpu.memref_squeeze %dma_wait3A_21 : memref<1x10240xf32, #tpu.memory_space<hbm>> -> memref<10240xf32, #tpu.memory_space<hbm>>
      tpu.wait_dma2 semaphore(%run_scoped3A : memref<!tpu.dma_semaphore, #tpu.memory_space<semaphore_mem>>) src(%arg5 : memref<10240xf32, #tpu.memory_space<vmem>>) dst(%dma_wait3A_22 : memref<10240xf32, #tpu.memory_space<hbm>>)
      tpu.yield
    }) : () -> ()
    return
  }
}

#map = affine_map<(d0, d1) -> (0, 0)>
#map1 = affine_map<(d0, d1) -> (0, 0, 0)>
module attributes {stable_mosaic.version = 14 : i64} {
  func.func @_mp_body(%arg0: i32, %arg1: i32, %arg2: memref<10240x128xf32, #tpu.memory_space<hbm>>, %arg3: memref<2624x2x128xi32, #tpu.memory_space<hbm>>, %arg4: memref<2x10240x128xf32, #tpu.memory_space<hbm>>, %arg5: memref<2x128xi32, #tpu.memory_space<vmem>>, %arg6: memref<2x128xi32, #tpu.memory_space<vmem>>, %arg7: memref<2x128xi32, #tpu.memory_space<vmem>>, %arg8: memref<2x128xi32, #tpu.memory_space<vmem>>, %arg9: memref<128x128xf32, #tpu.memory_space<vmem>>, %arg10: memref<128x128xf32, #tpu.memory_space<vmem>>, %arg11: memref<10240x128xf32, #tpu.memory_space<vmem_shared>>, %arg12: memref<!tpu.dma_semaphore, #tpu.memory_space<semaphore_mem>>, %arg13: memref<!tpu.dma_semaphore, #tpu.memory_space<semaphore_mem>>, %arg14: memref<!tpu.dma_semaphore, #tpu.memory_space<semaphore_mem>>, %arg15: memref<!tpu.dma_semaphore, #tpu.memory_space<semaphore_mem>>, %arg16: memref<!tpu.dma_semaphore, #tpu.memory_space<semaphore_mem>>, %arg17: memref<!tpu.dma_semaphore, #tpu.memory_space<semaphore_mem>>, %arg18: memref<!tpu.dma_semaphore, #tpu.memory_space<semaphore_mem>>, %arg19: memref<!tpu.dma_semaphore, #tpu.memory_space<semaphore_mem>>) attributes {dimension_semantics = [#tpu.dimension_semantics<core_parallel>, #tpu.dimension_semantics<subcore_parallel>], iteration_bounds = array<i64: 2, 16>, scalar_prefetch = 0 : i64, scratch_operands = 15 : i64, tpu.core_type = #tpu.core_type<sc_vector_subcore>, window_params = [{transform_indices = #map}, {transform_indices = #map1}, {transform_indices = #map1}]} {
    %eq3A = arith.constant 0 : i32
    %eq3A_0 = arith.cmpi eq, %arg0, %eq3A : i32
    %mul3A = arith.constant 154 : i32
    %mul3A_1 = arith.muli %arg1, %mul3A : i32
    %mul3A_2 = arith.constant 10 : i32
    %mul3A_3 = arith.muli %arg1, %mul3A_2 : i32
    %add3A = arith.constant 2464 : i32
    %add3A_4 = arith.addi %add3A, %mul3A_3 : i32
    %select_n3A = arith.select %eq3A_0, %mul3A_1, %add3A_4 : i32
    %eq3A_5 = arith.constant 0 : i32
    %eq3A_6 = arith.cmpi eq, %arg0, %eq3A_5 : i32
    %jit3A = arith.constant 154 : i32
    %jit3A_7 = arith.constant 10 : i32
    %select_n3A_8 = arith.select %eq3A_6, %jit3A, %jit3A_7 : i32
    %scan3A = arith.constant 0 : i32
    %scan3A_9 = arith.constant 0 : i32
    %scan3A_10 = arith.constant 128 : i32
    %scan3A_11 = arith.addi %scan3A_9, %scan3A_10 : i32
    %scan3A_12 = arith.constant 1 : i32
    scf.for %scan3A_68 = %scan3A_9 to %scan3A_11 step %scan3A_12  : i32 {
      %broadcast_in_dim3A = arith.constant 0.000000e+00 : f32
      %broadcast_in_dim3A_69 = vector.broadcast %broadcast_in_dim3A : f32 to vector<16xf32>
      %jit3A_70 = arith.constant 8 : i32
      %div3A_71 = arith.divsi %scan3A_68, %jit3A_70 : i32
      %sign3A_72 = arith.constant 0 : i32
      %sign3A_73 = arith.cmpi sgt, %scan3A_68, %sign3A_72 : i32
      %sign3A_74 = arith.extui %sign3A_73 : i1 to i32
      %sign3A_75 = arith.constant 0 : i32
      %sign3A_76 = arith.cmpi slt, %scan3A_68, %sign3A_75 : i32
      %sign3A_77 = arith.extui %sign3A_76 : i1 to i32
      %sign3A_78 = arith.subi %sign3A_74, %sign3A_77 : i32
      %sign3A_79 = arith.constant 0 : i32
      %sign3A_80 = arith.cmpi sgt, %jit3A_70, %sign3A_79 : i32
      %sign3A_81 = arith.extui %sign3A_80 : i1 to i32
      %sign3A_82 = arith.constant 0 : i32
      %sign3A_83 = arith.cmpi slt, %jit3A_70, %sign3A_82 : i32
      %sign3A_84 = arith.extui %sign3A_83 : i1 to i32
      %sign3A_85 = arith.subi %sign3A_81, %sign3A_84 : i32
      %ne3A_86 = arith.cmpi ne, %sign3A_78, %sign3A_85 : i32
      %rem3A_87 = arith.remsi %scan3A_68, %jit3A_70 : i32
      %ne3A_88 = arith.constant 0 : i32
      %ne3A_89 = arith.cmpi ne, %rem3A_87, %ne3A_88 : i32
      %and3A_90 = arith.andi %ne3A_86, %ne3A_89 : i1
      %sub3A_91 = arith.constant 1 : i32
      %sub3A_92 = arith.subi %div3A_71, %sub3A_91 : i32
      %select_n3A_93 = arith.select %and3A_90, %sub3A_92, %div3A_71 : i32
      %jit3A_94 = arith.constant 8 : i32
      %eq3A_95 = arith.constant 0 : i32
      %eq3A_96 = arith.cmpi eq, %jit3A_94, %eq3A_95 : i32
      %jit3A_97 = arith.constant 1 : i32
      %select_n3A_98 = arith.select %eq3A_96, %jit3A_97, %jit3A_94 : i32
      %rem3A_99 = arith.remsi %scan3A_68, %select_n3A_98 : i32
      %ne3A_100 = arith.constant 0 : i32
      %ne3A_101 = arith.cmpi ne, %rem3A_99, %ne3A_100 : i32
      %lt3A = arith.constant 0 : i32
      %lt3A_102 = arith.cmpi slt, %rem3A_99, %lt3A : i32
      %lt3A_103 = arith.constant 0 : i32
      %lt3A_104 = arith.cmpi slt, %select_n3A_98, %lt3A_103 : i32
      %ne3A_105 = arith.xori %lt3A_102, %lt3A_104 : i1
      %and3A_106 = arith.andi %ne3A_105, %ne3A_101 : i1
      %add3A_107 = arith.addi %rem3A_99, %select_n3A_98 : i32
      %select_n3A_108 = arith.select %and3A_106, %add3A_107, %rem3A_99 : i32
      %mul3A_109 = arith.constant 16 : i32
      %mul3A_110 = arith.muli %select_n3A_108, %mul3A_109 : i32
      %swap3A = arith.index_cast %select_n3A_93 : i32 to index
      %swap3A_111 = arith.index_cast %mul3A_110 : i32 to index
      %swap3A_112 = tpu.vector_load %arg9[%swap3A, %swap3A_111] {strides = array<i32>} : memref<128x128xf32, #tpu.memory_space<vmem>>, vector<1x16xf32>,
      %swap3A_113 = vector.shape_cast %swap3A_112 : vector<1x16xf32> to vector<16xf32>
      %swap3A_114 = vector.shape_cast %broadcast_in_dim3A_69 : vector<16xf32> to vector<1x16xf32>
      tpu.vector_store %arg9[%swap3A, %swap3A_111], %swap3A_114 {strides = array<i32>} : memref<128x128xf32, #tpu.memory_space<vmem>>, vector<1x16xf32>,
    }
    %scan3A_13 = arith.constant 128 : i32
    %scan3A_14 = arith.constant 0 : i32
    %scan3A_15 = arith.constant 0 : i32
    %scan3A_16 = arith.constant 40 : i32
    %scan3A_17 = arith.addi %scan3A_15, %scan3A_16 : i32
    %scan3A_18 = arith.constant 1 : i32
    scf.for %scan3A_68 = %scan3A_15 to %scan3A_17 step %scan3A_18  : i32 {
      %mul3A_69 = arith.constant 640 : i32
      %mul3A_70 = arith.muli %arg1, %mul3A_69 : i32
      %mul3A_71 = arith.constant 16 : i32
      %mul3A_72 = arith.muli %scan3A_68, %mul3A_71 : i32
      %add3A_73 = arith.addi %mul3A_70, %mul3A_72 : i32
      "tpu.region"() ({
        %run_scoped3A = tpu.sem_alloc : memref<!tpu.dma_semaphore, #tpu.memory_space<semaphore_mem>>
        %dma_start3A_74 = arith.constant 0 : i32
        %dma_start3A_75 = arith.constant 0 : i32
        %dma_start3A_76 = tpu.memref_slice %arg9[%dma_start3A_74, %dma_start3A_75] : memref<128x128xf32, #tpu.memory_space<vmem>> -> memref<16x128xf32, #tpu.memory_space<vmem>>
        %dma_start3A_77 = arith.constant 0 : i32
        %dma_start3A_78 = tpu.memref_slice %arg11[%add3A_73, %dma_start3A_77] : memref<10240x128xf32, #tpu.memory_space<vmem_shared>> -> memref<16x128xf32, #tpu.memory_space<vmem_shared>>
        %dma_start3A_79 = arith.constant 0 : i32
        %dma_start3A_80 = tpu.memref_slice %arg11[%add3A_73, %dma_start3A_79] : memref<10240x128xf32, #tpu.memory_space<vmem_shared>> -> memref<16x128xf32, #tpu.memory_space<vmem_shared>>
        %dma_start3A_81 = arith.constant 0 : i32
        %dma_start3A_82 = arith.constant 0 : i32
        %dma_start3A_83 = tpu.memref_slice %arg9[%dma_start3A_81, %dma_start3A_82] : memref<128x128xf32, #tpu.memory_space<vmem>> -> memref<16x128xf32, #tpu.memory_space<vmem>>
        tpu.enqueue_dma source(%dma_start3A_83 : memref<16x128xf32, #tpu.memory_space<vmem>>) target(%dma_start3A_80 : memref<16x128xf32, #tpu.memory_space<vmem_shared>>) target_semaphore(%run_scoped3A : memref<!tpu.dma_semaphore, #tpu.memory_space<semaphore_mem>>)
        %dma_wait3A = arith.constant 0 : i32
        %dma_wait3A_84 = arith.constant 0 : i32
        %dma_wait3A_85 = tpu.memref_slice %arg9[%dma_wait3A, %dma_wait3A_84] : memref<128x128xf32, #tpu.memory_space<vmem>> -> memref<16x128xf32, #tpu.memory_space<vmem>>
        %dma_wait3A_86 = arith.constant 0 : i32
        %dma_wait3A_87 = tpu.memref_slice %arg11[%add3A_73, %dma_wait3A_86] : memref<10240x128xf32, #tpu.memory_space<vmem_shared>> -> memref<16x128xf32, #tpu.memory_space<vmem_shared>>
        %dma_wait3A_88 = arith.constant 0 : i32
        %dma_wait3A_89 = tpu.memref_slice %arg11[%add3A_73, %dma_wait3A_88] : memref<10240x128xf32, #tpu.memory_space<vmem_shared>> -> memref<16x128xf32, #tpu.memory_space<vmem_shared>>
        %dma_wait3A_90 = arith.constant 0 : i32
        %dma_wait3A_91 = arith.constant 0 : i32
        %dma_wait3A_92 = tpu.memref_slice %arg9[%dma_wait3A_90, %dma_wait3A_91] : memref<128x128xf32, #tpu.memory_space<vmem>> -> memref<16x128xf32, #tpu.memory_space<vmem>>
        tpu.wait_dma2 semaphore(%run_scoped3A : memref<!tpu.dma_semaphore, #tpu.memory_space<semaphore_mem>>) src(%dma_wait3A_92 : memref<16x128xf32, #tpu.memory_space<vmem>>) dst(%dma_wait3A_89 : memref<16x128xf32, #tpu.memory_space<vmem_shared>>)
        tpu.yield
      }) : () -> ()
    }
    %scan3A_19 = arith.constant 40 : i32
    %barrier3A = arith.constant 0 : index
    tpu.barrier barrier_id(%barrier3A)
    "tpu.region"() ({
      %run_scoped3A = tpu.sem_alloc : memref<!tpu.dma_semaphore, #tpu.memory_space<semaphore_mem>>
      %dma_start3A_68 = arith.constant 0 : i32
      %dma_start3A_69 = arith.constant 0 : i32
      %dma_start3A_70 = tpu.memref_slice %arg3[%select_n3A, %dma_start3A_68, %dma_start3A_69] : memref<2624x2x128xi32, #tpu.memory_space<hbm>> -> memref<1x2x128xi32, #tpu.memory_space<hbm>>
      %dma_start3A_71 = tpu.memref_squeeze %dma_start3A_70 : memref<1x2x128xi32, #tpu.memory_space<hbm>> -> memref<2x128xi32, #tpu.memory_space<hbm>>
      %dma_start3A_72 = arith.constant 0 : i32
      %dma_start3A_73 = arith.constant 0 : i32
      %dma_start3A_74 = tpu.memref_slice %arg3[%select_n3A, %dma_start3A_72, %dma_start3A_73] : memref<2624x2x128xi32, #tpu.memory_space<hbm>> -> memref<1x2x128xi32, #tpu.memory_space<hbm>>
      %dma_start3A_75 = tpu.memref_squeeze %dma_start3A_74 : memref<1x2x128xi32, #tpu.memory_space<hbm>> -> memref<2x128xi32, #tpu.memory_space<hbm>>
      tpu.enqueue_dma source(%dma_start3A_75 : memref<2x128xi32, #tpu.memory_space<hbm>>) target(%arg5 : memref<2x128xi32, #tpu.memory_space<vmem>>) target_semaphore(%run_scoped3A : memref<!tpu.dma_semaphore, #tpu.memory_space<semaphore_mem>>)
      %dma_wait3A = arith.constant 0 : i32
      %dma_wait3A_76 = arith.constant 0 : i32
      %dma_wait3A_77 = tpu.memref_slice %arg3[%select_n3A, %dma_wait3A, %dma_wait3A_76] : memref<2624x2x128xi32, #tpu.memory_space<hbm>> -> memref<1x2x128xi32, #tpu.memory_space<hbm>>
      %dma_wait3A_78 = tpu.memref_squeeze %dma_wait3A_77 : memref<1x2x128xi32, #tpu.memory_space<hbm>> -> memref<2x128xi32, #tpu.memory_space<hbm>>
      %dma_wait3A_79 = arith.constant 0 : i32
      %dma_wait3A_80 = arith.constant 0 : i32
      %dma_wait3A_81 = tpu.memref_slice %arg3[%select_n3A, %dma_wait3A_79, %dma_wait3A_80] : memref<2624x2x128xi32, #tpu.memory_space<hbm>> -> memref<1x2x128xi32, #tpu.memory_space<hbm>>
      %dma_wait3A_82 = tpu.memref_squeeze %dma_wait3A_81 : memref<1x2x128xi32, #tpu.memory_space<hbm>> -> memref<2x128xi32, #tpu.memory_space<hbm>>
      tpu.wait_dma2 semaphore(%run_scoped3A : memref<!tpu.dma_semaphore, #tpu.memory_space<semaphore_mem>>) src(%dma_wait3A_82 : memref<2x128xi32, #tpu.memory_space<hbm>>) dst(%arg5 : memref<2x128xi32, #tpu.memory_space<vmem>>)
      tpu.yield
    }) : () -> ()
    %dma_start3A = arith.constant 0 : i32
    %dma_start3A_20 = arith.constant 0 : i32
    %dma_start3A_21 = tpu.memref_slice %arg5[%dma_start3A, %dma_start3A_20] : memref<2x128xi32, #tpu.memory_space<vmem>> -> memref<1x128xi32, #tpu.memory_space<vmem>>
    %dma_start3A_22 = tpu.memref_squeeze %dma_start3A_21 : memref<1x128xi32, #tpu.memory_space<vmem>> -> memref<128xi32, #tpu.memory_space<vmem>>
    %dma_start3A_23 = arith.constant 0 : i32
    %dma_start3A_24 = arith.constant 0 : i32
    %dma_start3A_25 = tpu.memref_slice %arg2[%dma_start3A_23, %dma_start3A_24] : memref<10240x128xf32, #tpu.memory_space<hbm>> -> memref<10240x128xf32, #tpu.memory_space<hbm>>
    tpu.enqueue_indirect_dma source(%dma_start3A_25 : memref<10240x128xf32, #tpu.memory_space<hbm>>) target(%arg9 : memref<128x128xf32, #tpu.memory_space<vmem>>) offsets(%dma_start3A_22 : memref<128xi32, #tpu.memory_space<vmem>>) semaphore(%arg16 : memref<!tpu.dma_semaphore, #tpu.memory_space<semaphore_mem>>)
    %add3A_26 = arith.constant 1 : i32
    %add3A_27 = arith.addi %select_n3A, %add3A_26 : i32
    %dma_start3A_28 = arith.constant 0 : i32
    %dma_start3A_29 = arith.constant 0 : i32
    %dma_start3A_30 = tpu.memref_slice %arg3[%add3A_27, %dma_start3A_28, %dma_start3A_29] : memref<2624x2x128xi32, #tpu.memory_space<hbm>> -> memref<1x2x128xi32, #tpu.memory_space<hbm>>
    %dma_start3A_31 = tpu.memref_squeeze %dma_start3A_30 : memref<1x2x128xi32, #tpu.memory_space<hbm>> -> memref<2x128xi32, #tpu.memory_space<hbm>>
    %dma_start3A_32 = arith.constant 0 : i32
    %dma_start3A_33 = arith.constant 0 : i32
    %dma_start3A_34 = tpu.memref_slice %arg3[%add3A_27, %dma_start3A_32, %dma_start3A_33] : memref<2624x2x128xi32, #tpu.memory_space<hbm>> -> memref<1x2x128xi32, #tpu.memory_space<hbm>>
    %dma_start3A_35 = tpu.memref_squeeze %dma_start3A_34 : memref<1x2x128xi32, #tpu.memory_space<hbm>> -> memref<2x128xi32, #tpu.memory_space<hbm>>
    tpu.enqueue_dma source(%dma_start3A_35 : memref<2x128xi32, #tpu.memory_space<hbm>>) target(%arg6 : memref<2x128xi32, #tpu.memory_space<vmem>>) target_semaphore(%arg13 : memref<!tpu.dma_semaphore, #tpu.memory_space<semaphore_mem>>)
    %jit3A_36 = arith.constant 2 : i32
    %div3A = arith.divsi %select_n3A_8, %jit3A_36 : i32
    %sign3A = arith.constant 0 : i32
    %sign3A_37 = arith.cmpi sgt, %select_n3A_8, %sign3A : i32
    %sign3A_38 = arith.extui %sign3A_37 : i1 to i32
    %sign3A_39 = arith.constant 0 : i32
    %sign3A_40 = arith.cmpi slt, %select_n3A_8, %sign3A_39 : i32
    %sign3A_41 = arith.extui %sign3A_40 : i1 to i32
    %sign3A_42 = arith.subi %sign3A_38, %sign3A_41 : i32
    %sign3A_43 = arith.constant 0 : i32
    %sign3A_44 = arith.cmpi sgt, %jit3A_36, %sign3A_43 : i32
    %sign3A_45 = arith.extui %sign3A_44 : i1 to i32
    %sign3A_46 = arith.constant 0 : i32
    %sign3A_47 = arith.cmpi slt, %jit3A_36, %sign3A_46 : i32
    %sign3A_48 = arith.extui %sign3A_47 : i1 to i32
    %sign3A_49 = arith.subi %sign3A_45, %sign3A_48 : i32
    %ne3A = arith.cmpi ne, %sign3A_42, %sign3A_49 : i32
    %rem3A = arith.remsi %select_n3A_8, %jit3A_36 : i32
    %ne3A_50 = arith.constant 0 : i32
    %ne3A_51 = arith.cmpi ne, %rem3A, %ne3A_50 : i32
    %and3A = arith.andi %ne3A, %ne3A_51 : i1
    %sub3A = arith.constant 1 : i32
    %sub3A_52 = arith.subi %div3A, %sub3A : i32
    %select_n3A_53 = arith.select %and3A, %sub3A_52, %div3A : i32
    %while3A = arith.constant 0 : i32
    %while3A_54 = arith.constant 0 : i32
    %while3A_55 = arith.subi %select_n3A_53, %while3A_54 : i32
    %while3A_56 = arith.addi %while3A_54, %while3A_55 : i32
    %while3A_57 = arith.constant 1 : i32
    %while3A_58 = arith.divsi %while3A_55, %while3A_57 : i32
    %while3A_59 = arith.muli %while3A_58, %while3A_57 : i32
    %while3A_60 = arith.addi %while3A_54, %while3A_59 : i32
    %while3A_61 = arith.constant 1 : i32
    scf.for %while3A_68 = %while3A_54 to %while3A_60 step %while3A_61  : i32 {
      %mul3A_69 = arith.constant 2 : i32
      %mul3A_70 = arith.muli %mul3A_69, %while3A_68 : i32
      %dma_wait3A = arith.constant 0 : i32
      %dma_wait3A_71 = arith.constant 0 : i32
      %dma_wait3A_72 = tpu.memref_slice %arg3[%select_n3A, %dma_wait3A, %dma_wait3A_71] : memref<2624x2x128xi32, #tpu.memory_space<hbm>> -> memref<1x2x128xi32, #tpu.memory_space<hbm>>
      %dma_wait3A_73 = tpu.memref_squeeze %dma_wait3A_72 : memref<1x2x128xi32, #tpu.memory_space<hbm>> -> memref<2x128xi32, #tpu.memory_space<hbm>>
      %dma_wait3A_74 = arith.constant 0 : i32
      %dma_wait3A_75 = arith.constant 0 : i32
      %dma_wait3A_76 = tpu.memref_slice %arg3[%select_n3A, %dma_wait3A_74, %dma_wait3A_75] : memref<2624x2x128xi32, #tpu.memory_space<hbm>> -> memref<1x2x128xi32, #tpu.memory_space<hbm>>
      %dma_wait3A_77 = tpu.memref_squeeze %dma_wait3A_76 : memref<1x2x128xi32, #tpu.memory_space<hbm>> -> memref<2x128xi32, #tpu.memory_space<hbm>>
      tpu.wait_dma2 semaphore(%arg13 : memref<!tpu.dma_semaphore, #tpu.memory_space<semaphore_mem>>) src(%dma_wait3A_77 : memref<2x128xi32, #tpu.memory_space<hbm>>) dst(%arg6 : memref<2x128xi32, #tpu.memory_space<vmem>>)
      %dma_start3A_78 = arith.constant 0 : i32
      %dma_start3A_79 = arith.constant 0 : i32
      %dma_start3A_80 = tpu.memref_slice %arg6[%dma_start3A_78, %dma_start3A_79] : memref<2x128xi32, #tpu.memory_space<vmem>> -> memref<1x128xi32, #tpu.memory_space<vmem>>
      %dma_start3A_81 = tpu.memref_squeeze %dma_start3A_80 : memref<1x128xi32, #tpu.memory_space<vmem>> -> memref<128xi32, #tpu.memory_space<vmem>>
      %dma_start3A_82 = arith.constant 0 : i32
      %dma_start3A_83 = arith.constant 0 : i32
      %dma_start3A_84 = tpu.memref_slice %arg2[%dma_start3A_82, %dma_start3A_83] : memref<10240x128xf32, #tpu.memory_space<hbm>> -> memref<10240x128xf32, #tpu.memory_space<hbm>>
      tpu.enqueue_indirect_dma source(%dma_start3A_84 : memref<10240x128xf32, #tpu.memory_space<hbm>>) target(%arg10 : memref<128x128xf32, #tpu.memory_space<vmem>>) offsets(%dma_start3A_81 : memref<128xi32, #tpu.memory_space<vmem>>) semaphore(%arg17 : memref<!tpu.dma_semaphore, #tpu.memory_space<semaphore_mem>>)
      %dma_wait3A_85 = arith.constant 0 : i32
      %dma_wait3A_86 = arith.constant 0 : i32
      %dma_wait3A_87 = tpu.memref_slice %arg5[%dma_wait3A_85, %dma_wait3A_86] : memref<2x128xi32, #tpu.memory_space<vmem>> -> memref<1x128xi32, #tpu.memory_space<vmem>>
      %dma_wait3A_88 = tpu.memref_squeeze %dma_wait3A_87 : memref<1x128xi32, #tpu.memory_space<vmem>> -> memref<128xi32, #tpu.memory_space<vmem>>
      %dma_wait3A_89 = arith.constant 0 : i32
      %dma_wait3A_90 = arith.constant 0 : i32
      %dma_wait3A_91 = tpu.memref_slice %arg2[%dma_wait3A_89, %dma_wait3A_90] : memref<10240x128xf32, #tpu.memory_space<hbm>> -> memref<10240x128xf32, #tpu.memory_space<hbm>>
      tpu.wait_indirect_dma semaphore(%arg16 : memref<!tpu.dma_semaphore, #tpu.memory_space<semaphore_mem>>) src(%dma_wait3A_91 : memref<10240x128xf32, #tpu.memory_space<hbm>>) dst(%arg9 : memref<128x128xf32, #tpu.memory_space<vmem>>)
      %run_scoped3A = arith.constant 1 : i32
      "tpu.region"() ({
        %run_scoped3A_109 = tpu.sem_alloc : memref<!tpu.dma_semaphore, #tpu.memory_space<semaphore_mem>>
        %dma_start3A_110 = arith.constant 0 : i32
        %dma_start3A_111 = tpu.memref_slice %arg5[%run_scoped3A, %dma_start3A_110] : memref<2x128xi32, #tpu.memory_space<vmem>> -> memref<1x128xi32, #tpu.memory_space<vmem>>
        %dma_start3A_112 = tpu.memref_squeeze %dma_start3A_111 : memref<1x128xi32, #tpu.memory_space<vmem>> -> memref<128xi32, #tpu.memory_space<vmem>>
        %dma_start3A_113 = arith.constant 0 : i32
        %dma_start3A_114 = arith.constant 0 : i32
        %dma_start3A_115 = tpu.memref_slice %arg11[%dma_start3A_113, %dma_start3A_114] : memref<10240x128xf32, #tpu.memory_space<vmem_shared>> -> memref<10240x128xf32, #tpu.memory_space<vmem_shared>>
        tpu.enqueue_indirect_dma source(%arg9 : memref<128x128xf32, #tpu.memory_space<vmem>>) target(%dma_start3A_115 : memref<10240x128xf32, #tpu.memory_space<vmem_shared>>) offsets(%dma_start3A_112 : memref<128xi32, #tpu.memory_space<vmem>>) semaphore(%run_scoped3A_109 : memref<!tpu.dma_semaphore, #tpu.memory_space<semaphore_mem>>) {add = true}
        %dma_wait3A_116 = arith.constant 0 : i32
        %dma_wait3A_117 = tpu.memref_slice %arg5[%run_scoped3A, %dma_wait3A_116] : memref<2x128xi32, #tpu.memory_space<vmem>> -> memref<1x128xi32, #tpu.memory_space<vmem>>
        %dma_wait3A_118 = tpu.memref_squeeze %dma_wait3A_117 : memref<1x128xi32, #tpu.memory_space<vmem>> -> memref<128xi32, #tpu.memory_space<vmem>>
        %dma_wait3A_119 = arith.constant 0 : i32
        %dma_wait3A_120 = arith.constant 0 : i32
        %dma_wait3A_121 = tpu.memref_slice %arg11[%dma_wait3A_119, %dma_wait3A_120] : memref<10240x128xf32, #tpu.memory_space<vmem_shared>> -> memref<10240x128xf32, #tpu.memory_space<vmem_shared>>
        tpu.wait_indirect_dma semaphore(%run_scoped3A_109 : memref<!tpu.dma_semaphore, #tpu.memory_space<semaphore_mem>>) src(%arg9 : memref<128x128xf32, #tpu.memory_space<vmem>>) dst(%dma_wait3A_121 : memref<10240x128xf32, #tpu.memory_space<vmem_shared>>)
        tpu.yield
      }) : () -> ()
      %add3A_92 = arith.constant 2 : i32
      %add3A_93 = arith.addi %mul3A_70, %add3A_92 : i32
      %lt3A = arith.cmpi slt, %add3A_93, %select_n3A_8 : i32
      %convert_element_type3A = arith.extui %lt3A : i1 to i32
      %cond3A = arith.constant 0 : i32
      %cond3A_94 = arith.cmpi ne, %convert_element_type3A, %cond3A : i32
      scf.if %cond3A_94 {
        %add3A_109 = arith.addi %select_n3A, %mul3A_70 : i32
        %add3A_110 = arith.constant 2 : i32
        %add3A_111 = arith.addi %add3A_109, %add3A_110 : i32
        %dma_start3A_112 = arith.constant 0 : i32
        %dma_start3A_113 = arith.constant 0 : i32
        %dma_start3A_114 = tpu.memref_slice %arg3[%add3A_111, %dma_start3A_112, %dma_start3A_113] : memref<2624x2x128xi32, #tpu.memory_space<hbm>> -> memref<1x2x128xi32, #tpu.memory_space<hbm>>
        %dma_start3A_115 = tpu.memref_squeeze %dma_start3A_114 : memref<1x2x128xi32, #tpu.memory_space<hbm>> -> memref<2x128xi32, #tpu.memory_space<hbm>>
        %dma_start3A_116 = arith.constant 0 : i32
        %dma_start3A_117 = arith.constant 0 : i32
        %dma_start3A_118 = tpu.memref_slice %arg3[%add3A_111, %dma_start3A_116, %dma_start3A_117] : memref<2624x2x128xi32, #tpu.memory_space<hbm>> -> memref<1x2x128xi32, #tpu.memory_space<hbm>>
        %dma_start3A_119 = tpu.memref_squeeze %dma_start3A_118 : memref<1x2x128xi32, #tpu.memory_space<hbm>> -> memref<2x128xi32, #tpu.memory_space<hbm>>
        tpu.enqueue_dma source(%dma_start3A_119 : memref<2x128xi32, #tpu.memory_space<hbm>>) target(%arg5 : memref<2x128xi32, #tpu.memory_space<vmem>>) target_semaphore(%arg12 : memref<!tpu.dma_semaphore, #tpu.memory_space<semaphore_mem>>)
        %dma_wait3A_120 = arith.constant 0 : i32
        %dma_wait3A_121 = arith.constant 0 : i32
        %dma_wait3A_122 = tpu.memref_slice %arg3[%select_n3A, %dma_wait3A_120, %dma_wait3A_121] : memref<2624x2x128xi32, #tpu.memory_space<hbm>> -> memref<1x2x128xi32, #tpu.memory_space<hbm>>
        %dma_wait3A_123 = tpu.memref_squeeze %dma_wait3A_122 : memref<1x2x128xi32, #tpu.memory_space<hbm>> -> memref<2x128xi32, #tpu.memory_space<hbm>>
        %dma_wait3A_124 = arith.constant 0 : i32
        %dma_wait3A_125 = arith.constant 0 : i32
        %dma_wait3A_126 = tpu.memref_slice %arg3[%select_n3A, %dma_wait3A_124, %dma_wait3A_125] : memref<2624x2x128xi32, #tpu.memory_space<hbm>> -> memref<1x2x128xi32, #tpu.memory_space<hbm>>
        %dma_wait3A_127 = tpu.memref_squeeze %dma_wait3A_126 : memref<1x2x128xi32, #tpu.memory_space<hbm>> -> memref<2x128xi32, #tpu.memory_space<hbm>>
        tpu.wait_dma2 semaphore(%arg12 : memref<!tpu.dma_semaphore, #tpu.memory_space<semaphore_mem>>) src(%dma_wait3A_127 : memref<2x128xi32, #tpu.memory_space<hbm>>) dst(%arg5 : memref<2x128xi32, #tpu.memory_space<vmem>>)
        %dma_start3A_128 = arith.constant 0 : i32
        %dma_start3A_129 = arith.constant 0 : i32
        %dma_start3A_130 = tpu.memref_slice %arg5[%dma_start3A_128, %dma_start3A_129] : memref<2x128xi32, #tpu.memory_space<vmem>> -> memref<1x128xi32, #tpu.memory_space<vmem>>
        %dma_start3A_131 = tpu.memref_squeeze %dma_start3A_130 : memref<1x128xi32, #tpu.memory_space<vmem>> -> memref<128xi32, #tpu.memory_space<vmem>>
        %dma_start3A_132 = arith.constant 0 : i32
        %dma_start3A_133 = arith.constant 0 : i32
        %dma_start3A_134 = tpu.memref_slice %arg2[%dma_start3A_132, %dma_start3A_133] : memref<10240x128xf32, #tpu.memory_space<hbm>> -> memref<10240x128xf32, #tpu.memory_space<hbm>>
        tpu.enqueue_indirect_dma source(%dma_start3A_134 : memref<10240x128xf32, #tpu.memory_space<hbm>>) target(%arg9 : memref<128x128xf32, #tpu.memory_space<vmem>>) offsets(%dma_start3A_131 : memref<128xi32, #tpu.memory_space<vmem>>) semaphore(%arg16 : memref<!tpu.dma_semaphore, #tpu.memory_space<semaphore_mem>>)
      } else {
      }
      %dma_wait3A_95 = arith.constant 0 : i32
      %dma_wait3A_96 = arith.constant 0 : i32
      %dma_wait3A_97 = tpu.memref_slice %arg6[%dma_wait3A_95, %dma_wait3A_96] : memref<2x128xi32, #tpu.memory_space<vmem>> -> memref<1x128xi32, #tpu.memory_space<vmem>>
      %dma_wait3A_98 = tpu.memref_squeeze %dma_wait3A_97 : memref<1x128xi32, #tpu.memory_space<vmem>> -> memref<128xi32, #tpu.memory_space<vmem>>
      %dma_wait3A_99 = arith.constant 0 : i32
      %dma_wait3A_100 = arith.constant 0 : i32
      %dma_wait3A_101 = tpu.memref_slice %arg2[%dma_wait3A_99, %dma_wait3A_100] : memref<10240x128xf32, #tpu.memory_space<hbm>> -> memref<10240x128xf32, #tpu.memory_space<hbm>>
      tpu.wait_indirect_dma semaphore(%arg17 : memref<!tpu.dma_semaphore, #tpu.memory_space<semaphore_mem>>) src(%dma_wait3A_101 : memref<10240x128xf32, #tpu.memory_space<hbm>>) dst(%arg10 : memref<128x128xf32, #tpu.memory_space<vmem>>)
      %run_scoped3A_102 = arith.constant 1 : i32
      "tpu.region"() ({
        %run_scoped3A_109 = tpu.sem_alloc : memref<!tpu.dma_semaphore, #tpu.memory_space<semaphore_mem>>
        %dma_start3A_110 = arith.constant 0 : i32
        %dma_start3A_111 = tpu.memref_slice %arg6[%run_scoped3A_102, %dma_start3A_110] : memref<2x128xi32, #tpu.memory_space<vmem>> -> memref<1x128xi32, #tpu.memory_space<vmem>>
        %dma_start3A_112 = tpu.memref_squeeze %dma_start3A_111 : memref<1x128xi32, #tpu.memory_space<vmem>> -> memref<128xi32, #tpu.memory_space<vmem>>
        %dma_start3A_113 = arith.constant 0 : i32
        %dma_start3A_114 = arith.constant 0 : i32
        %dma_start3A_115 = tpu.memref_slice %arg11[%dma_start3A_113, %dma_start3A_114] : memref<10240x128xf32, #tpu.memory_space<vmem_shared>> -> memref<10240x128xf32, #tpu.memory_space<vmem_shared>>
        tpu.enqueue_indirect_dma source(%arg10 : memref<128x128xf32, #tpu.memory_space<vmem>>) target(%dma_start3A_115 : memref<10240x128xf32, #tpu.memory_space<vmem_shared>>) offsets(%dma_start3A_112 : memref<128xi32, #tpu.memory_space<vmem>>) semaphore(%run_scoped3A_109 : memref<!tpu.dma_semaphore, #tpu.memory_space<semaphore_mem>>) {add = true}
        %dma_wait3A_116 = arith.constant 0 : i32
        %dma_wait3A_117 = tpu.memref_slice %arg6[%run_scoped3A_102, %dma_wait3A_116] : memref<2x128xi32, #tpu.memory_space<vmem>> -> memref<1x128xi32, #tpu.memory_space<vmem>>
        %dma_wait3A_118 = tpu.memref_squeeze %dma_wait3A_117 : memref<1x128xi32, #tpu.memory_space<vmem>> -> memref<128xi32, #tpu.memory_space<vmem>>
        %dma_wait3A_119 = arith.constant 0 : i32
        %dma_wait3A_120 = arith.constant 0 : i32
        %dma_wait3A_121 = tpu.memref_slice %arg11[%dma_wait3A_119, %dma_wait3A_120] : memref<10240x128xf32, #tpu.memory_space<vmem_shared>> -> memref<10240x128xf32, #tpu.memory_space<vmem_shared>>
        tpu.wait_indirect_dma semaphore(%run_scoped3A_109 : memref<!tpu.dma_semaphore, #tpu.memory_space<semaphore_mem>>) src(%arg10 : memref<128x128xf32, #tpu.memory_space<vmem>>) dst(%dma_wait3A_121 : memref<10240x128xf32, #tpu.memory_space<vmem_shared>>)
        tpu.yield
      }) : () -> ()
      %add3A_103 = arith.constant 3 : i32
      %add3A_104 = arith.addi %mul3A_70, %add3A_103 : i32
      %lt3A_105 = arith.cmpi slt, %add3A_104, %select_n3A_8 : i32
      %convert_element_type3A_106 = arith.extui %lt3A_105 : i1 to i32
      %cond3A_107 = arith.constant 0 : i32
      %cond3A_108 = arith.cmpi ne, %convert_element_type3A_106, %cond3A_107 : i32
      scf.if %cond3A_108 {
        %add3A_109 = arith.addi %select_n3A, %mul3A_70 : i32
        %add3A_110 = arith.constant 3 : i32
        %add3A_111 = arith.addi %add3A_109, %add3A_110 : i32
        %dma_start3A_112 = arith.constant 0 : i32
        %dma_start3A_113 = arith.constant 0 : i32
        %dma_start3A_114 = tpu.memref_slice %arg3[%add3A_111, %dma_start3A_112, %dma_start3A_113] : memref<2624x2x128xi32, #tpu.memory_space<hbm>> -> memref<1x2x128xi32, #tpu.memory_space<hbm>>
        %dma_start3A_115 = tpu.memref_squeeze %dma_start3A_114 : memref<1x2x128xi32, #tpu.memory_space<hbm>> -> memref<2x128xi32, #tpu.memory_space<hbm>>
        %dma_start3A_116 = arith.constant 0 : i32
        %dma_start3A_117 = arith.constant 0 : i32
        %dma_start3A_118 = tpu.memref_slice %arg3[%add3A_111, %dma_start3A_116, %dma_start3A_117] : memref<2624x2x128xi32, #tpu.memory_space<hbm>> -> memref<1x2x128xi32, #tpu.memory_space<hbm>>
        %dma_start3A_119 = tpu.memref_squeeze %dma_start3A_118 : memref<1x2x128xi32, #tpu.memory_space<hbm>> -> memref<2x128xi32, #tpu.memory_space<hbm>>
        tpu.enqueue_dma source(%dma_start3A_119 : memref<2x128xi32, #tpu.memory_space<hbm>>) target(%arg6 : memref<2x128xi32, #tpu.memory_space<vmem>>) target_semaphore(%arg13 : memref<!tpu.dma_semaphore, #tpu.memory_space<semaphore_mem>>)
      } else {
      }
    }
    %while3A_62 = arith.constant 1 : i32
    scf.for %while3A_68 = %while3A_60 to %while3A_56 step %while3A_62  : i32 {
      %mul3A_69 = arith.constant 2 : i32
      %mul3A_70 = arith.muli %mul3A_69, %while3A_68 : i32
      %dma_wait3A = arith.constant 0 : i32
      %dma_wait3A_71 = arith.constant 0 : i32
      %dma_wait3A_72 = tpu.memref_slice %arg3[%select_n3A, %dma_wait3A, %dma_wait3A_71] : memref<2624x2x128xi32, #tpu.memory_space<hbm>> -> memref<1x2x128xi32, #tpu.memory_space<hbm>>
      %dma_wait3A_73 = tpu.memref_squeeze %dma_wait3A_72 : memref<1x2x128xi32, #tpu.memory_space<hbm>> -> memref<2x128xi32, #tpu.memory_space<hbm>>
      %dma_wait3A_74 = arith.constant 0 : i32
      %dma_wait3A_75 = arith.constant 0 : i32
      %dma_wait3A_76 = tpu.memref_slice %arg3[%select_n3A, %dma_wait3A_74, %dma_wait3A_75] : memref<2624x2x128xi32, #tpu.memory_space<hbm>> -> memref<1x2x128xi32, #tpu.memory_space<hbm>>
      %dma_wait3A_77 = tpu.memref_squeeze %dma_wait3A_76 : memref<1x2x128xi32, #tpu.memory_space<hbm>> -> memref<2x128xi32, #tpu.memory_space<hbm>>
      tpu.wait_dma2 semaphore(%arg13 : memref<!tpu.dma_semaphore, #tpu.memory_space<semaphore_mem>>) src(%dma_wait3A_77 : memref<2x128xi32, #tpu.memory_space<hbm>>) dst(%arg6 : memref<2x128xi32, #tpu.memory_space<vmem>>)
      %dma_start3A_78 = arith.constant 0 : i32
      %dma_start3A_79 = arith.constant 0 : i32
      %dma_start3A_80 = tpu.memref_slice %arg6[%dma_start3A_78, %dma_start3A_79] : memref<2x128xi32, #tpu.memory_space<vmem>> -> memref<1x128xi32, #tpu.memory_space<vmem>>
      %dma_start3A_81 = tpu.memref_squeeze %dma_start3A_80 : memref<1x128xi32, #tpu.memory_space<vmem>> -> memref<128xi32, #tpu.memory_space<vmem>>
      %dma_start3A_82 = arith.constant 0 : i32
      %dma_start3A_83 = arith.constant 0 : i32
      %dma_start3A_84 = tpu.memref_slice %arg2[%dma_start3A_82, %dma_start3A_83] : memref<10240x128xf32, #tpu.memory_space<hbm>> -> memref<10240x128xf32, #tpu.memory_space<hbm>>
      tpu.enqueue_indirect_dma source(%dma_start3A_84 : memref<10240x128xf32, #tpu.memory_space<hbm>>) target(%arg10 : memref<128x128xf32, #tpu.memory_space<vmem>>) offsets(%dma_start3A_81 : memref<128xi32, #tpu.memory_space<vmem>>) semaphore(%arg17 : memref<!tpu.dma_semaphore, #tpu.memory_space<semaphore_mem>>)
      %dma_wait3A_85 = arith.constant 0 : i32
      %dma_wait3A_86 = arith.constant 0 : i32
      %dma_wait3A_87 = tpu.memref_slice %arg5[%dma_wait3A_85, %dma_wait3A_86] : memref<2x128xi32, #tpu.memory_space<vmem>> -> memref<1x128xi32, #tpu.memory_space<vmem>>
      %dma_wait3A_88 = tpu.memref_squeeze %dma_wait3A_87 : memref<1x128xi32, #tpu.memory_space<vmem>> -> memref<128xi32, #tpu.memory_space<vmem>>
      %dma_wait3A_89 = arith.constant 0 : i32
      %dma_wait3A_90 = arith.constant 0 : i32
      %dma_wait3A_91 = tpu.memref_slice %arg2[%dma_wait3A_89, %dma_wait3A_90] : memref<10240x128xf32, #tpu.memory_space<hbm>> -> memref<10240x128xf32, #tpu.memory_space<hbm>>
      tpu.wait_indirect_dma semaphore(%arg16 : memref<!tpu.dma_semaphore, #tpu.memory_space<semaphore_mem>>) src(%dma_wait3A_91 : memref<10240x128xf32, #tpu.memory_space<hbm>>) dst(%arg9 : memref<128x128xf32, #tpu.memory_space<vmem>>)
      %run_scoped3A = arith.constant 1 : i32
      "tpu.region"() ({
        %run_scoped3A_109 = tpu.sem_alloc : memref<!tpu.dma_semaphore, #tpu.memory_space<semaphore_mem>>
        %dma_start3A_110 = arith.constant 0 : i32
        %dma_start3A_111 = tpu.memref_slice %arg5[%run_scoped3A, %dma_start3A_110] : memref<2x128xi32, #tpu.memory_space<vmem>> -> memref<1x128xi32, #tpu.memory_space<vmem>>
        %dma_start3A_112 = tpu.memref_squeeze %dma_start3A_111 : memref<1x128xi32, #tpu.memory_space<vmem>> -> memref<128xi32, #tpu.memory_space<vmem>>
        %dma_start3A_113 = arith.constant 0 : i32
        %dma_start3A_114 = arith.constant 0 : i32
        %dma_start3A_115 = tpu.memref_slice %arg11[%dma_start3A_113, %dma_start3A_114] : memref<10240x128xf32, #tpu.memory_space<vmem_shared>> -> memref<10240x128xf32, #tpu.memory_space<vmem_shared>>
        tpu.enqueue_indirect_dma source(%arg9 : memref<128x128xf32, #tpu.memory_space<vmem>>) target(%dma_start3A_115 : memref<10240x128xf32, #tpu.memory_space<vmem_shared>>) offsets(%dma_start3A_112 : memref<128xi32, #tpu.memory_space<vmem>>) semaphore(%run_scoped3A_109 : memref<!tpu.dma_semaphore, #tpu.memory_space<semaphore_mem>>) {add = true}
        %dma_wait3A_116 = arith.constant 0 : i32
        %dma_wait3A_117 = tpu.memref_slice %arg5[%run_scoped3A, %dma_wait3A_116] : memref<2x128xi32, #tpu.memory_space<vmem>> -> memref<1x128xi32, #tpu.memory_space<vmem>>
        %dma_wait3A_118 = tpu.memref_squeeze %dma_wait3A_117 : memref<1x128xi32, #tpu.memory_space<vmem>> -> memref<128xi32, #tpu.memory_space<vmem>>
        %dma_wait3A_119 = arith.constant 0 : i32
        %dma_wait3A_120 = arith.constant 0 : i32
        %dma_wait3A_121 = tpu.memref_slice %arg11[%dma_wait3A_119, %dma_wait3A_120] : memref<10240x128xf32, #tpu.memory_space<vmem_shared>> -> memref<10240x128xf32, #tpu.memory_space<vmem_shared>>
        tpu.wait_indirect_dma semaphore(%run_scoped3A_109 : memref<!tpu.dma_semaphore, #tpu.memory_space<semaphore_mem>>) src(%arg9 : memref<128x128xf32, #tpu.memory_space<vmem>>) dst(%dma_wait3A_121 : memref<10240x128xf32, #tpu.memory_space<vmem_shared>>)
        tpu.yield
      }) : () -> ()
      %add3A_92 = arith.constant 2 : i32
      %add3A_93 = arith.addi %mul3A_70, %add3A_92 : i32
      %lt3A = arith.cmpi slt, %add3A_93, %select_n3A_8 : i32
      %convert_element_type3A = arith.extui %lt3A : i1 to i32
      %cond3A = arith.constant 0 : i32
      %cond3A_94 = arith.cmpi ne, %convert_element_type3A, %cond3A : i32
      scf.if %cond3A_94 {
        %add3A_109 = arith.addi %select_n3A, %mul3A_70 : i32
        %add3A_110 = arith.constant 2 : i32
        %add3A_111 = arith.addi %add3A_109, %add3A_110 : i32
        %dma_start3A_112 = arith.constant 0 : i32
        %dma_start3A_113 = arith.constant 0 : i32
        %dma_start3A_114 = tpu.memref_slice %arg3[%add3A_111, %dma_start3A_112, %dma_start3A_113] : memref<2624x2x128xi32, #tpu.memory_space<hbm>> -> memref<1x2x128xi32, #tpu.memory_space<hbm>>
        %dma_start3A_115 = tpu.memref_squeeze %dma_start3A_114 : memref<1x2x128xi32, #tpu.memory_space<hbm>> -> memref<2x128xi32, #tpu.memory_space<hbm>>
        %dma_start3A_116 = arith.constant 0 : i32
        %dma_start3A_117 = arith.constant 0 : i32
        %dma_start3A_118 = tpu.memref_slice %arg3[%add3A_111, %dma_start3A_116, %dma_start3A_117] : memref<2624x2x128xi32, #tpu.memory_space<hbm>> -> memref<1x2x128xi32, #tpu.memory_space<hbm>>
        %dma_start3A_119 = tpu.memref_squeeze %dma_start3A_118 : memref<1x2x128xi32, #tpu.memory_space<hbm>> -> memref<2x128xi32, #tpu.memory_space<hbm>>
        tpu.enqueue_dma source(%dma_start3A_119 : memref<2x128xi32, #tpu.memory_space<hbm>>) target(%arg5 : memref<2x128xi32, #tpu.memory_space<vmem>>) target_semaphore(%arg12 : memref<!tpu.dma_semaphore, #tpu.memory_space<semaphore_mem>>)
        %dma_wait3A_120 = arith.constant 0 : i32
        %dma_wait3A_121 = arith.constant 0 : i32
        %dma_wait3A_122 = tpu.memref_slice %arg3[%select_n3A, %dma_wait3A_120, %dma_wait3A_121] : memref<2624x2x128xi32, #tpu.memory_space<hbm>> -> memref<1x2x128xi32, #tpu.memory_space<hbm>>
        %dma_wait3A_123 = tpu.memref_squeeze %dma_wait3A_122 : memref<1x2x128xi32, #tpu.memory_space<hbm>> -> memref<2x128xi32, #tpu.memory_space<hbm>>
        %dma_wait3A_124 = arith.constant 0 : i32
        %dma_wait3A_125 = arith.constant 0 : i32
        %dma_wait3A_126 = tpu.memref_slice %arg3[%select_n3A, %dma_wait3A_124, %dma_wait3A_125] : memref<2624x2x128xi32, #tpu.memory_space<hbm>> -> memref<1x2x128xi32, #tpu.memory_space<hbm>>
        %dma_wait3A_127 = tpu.memref_squeeze %dma_wait3A_126 : memref<1x2x128xi32, #tpu.memory_space<hbm>> -> memref<2x128xi32, #tpu.memory_space<hbm>>
        tpu.wait_dma2 semaphore(%arg12 : memref<!tpu.dma_semaphore, #tpu.memory_space<semaphore_mem>>) src(%dma_wait3A_127 : memref<2x128xi32, #tpu.memory_space<hbm>>) dst(%arg5 : memref<2x128xi32, #tpu.memory_space<vmem>>)
        %dma_start3A_128 = arith.constant 0 : i32
        %dma_start3A_129 = arith.constant 0 : i32
        %dma_start3A_130 = tpu.memref_slice %arg5[%dma_start3A_128, %dma_start3A_129] : memref<2x128xi32, #tpu.memory_space<vmem>> -> memref<1x128xi32, #tpu.memory_space<vmem>>
        %dma_start3A_131 = tpu.memref_squeeze %dma_start3A_130 : memref<1x128xi32, #tpu.memory_space<vmem>> -> memref<128xi32, #tpu.memory_space<vmem>>
        %dma_start3A_132 = arith.constant 0 : i32
        %dma_start3A_133 = arith.constant 0 : i32
        %dma_start3A_134 = tpu.memref_slice %arg2[%dma_start3A_132, %dma_start3A_133] : memref<10240x128xf32, #tpu.memory_space<hbm>> -> memref<10240x128xf32, #tpu.memory_space<hbm>>
        tpu.enqueue_indirect_dma source(%dma_start3A_134 : memref<10240x128xf32, #tpu.memory_space<hbm>>) target(%arg9 : memref<128x128xf32, #tpu.memory_space<vmem>>) offsets(%dma_start3A_131 : memref<128xi32, #tpu.memory_space<vmem>>) semaphore(%arg16 : memref<!tpu.dma_semaphore, #tpu.memory_space<semaphore_mem>>)
      } else {
      }
      %dma_wait3A_95 = arith.constant 0 : i32
      %dma_wait3A_96 = arith.constant 0 : i32
      %dma_wait3A_97 = tpu.memref_slice %arg6[%dma_wait3A_95, %dma_wait3A_96] : memref<2x128xi32, #tpu.memory_space<vmem>> -> memref<1x128xi32, #tpu.memory_space<vmem>>
      %dma_wait3A_98 = tpu.memref_squeeze %dma_wait3A_97 : memref<1x128xi32, #tpu.memory_space<vmem>> -> memref<128xi32, #tpu.memory_space<vmem>>
      %dma_wait3A_99 = arith.constant 0 : i32
      %dma_wait3A_100 = arith.constant 0 : i32
      %dma_wait3A_101 = tpu.memref_slice %arg2[%dma_wait3A_99, %dma_wait3A_100] : memref<10240x128xf32, #tpu.memory_space<hbm>> -> memref<10240x128xf32, #tpu.memory_space<hbm>>
      tpu.wait_indirect_dma semaphore(%arg17 : memref<!tpu.dma_semaphore, #tpu.memory_space<semaphore_mem>>) src(%dma_wait3A_101 : memref<10240x128xf32, #tpu.memory_space<hbm>>) dst(%arg10 : memref<128x128xf32, #tpu.memory_space<vmem>>)
      %run_scoped3A_102 = arith.constant 1 : i32
      "tpu.region"() ({
        %run_scoped3A_109 = tpu.sem_alloc : memref<!tpu.dma_semaphore, #tpu.memory_space<semaphore_mem>>
        %dma_start3A_110 = arith.constant 0 : i32
        %dma_start3A_111 = tpu.memref_slice %arg6[%run_scoped3A_102, %dma_start3A_110] : memref<2x128xi32, #tpu.memory_space<vmem>> -> memref<1x128xi32, #tpu.memory_space<vmem>>
        %dma_start3A_112 = tpu.memref_squeeze %dma_start3A_111 : memref<1x128xi32, #tpu.memory_space<vmem>> -> memref<128xi32, #tpu.memory_space<vmem>>
        %dma_start3A_113 = arith.constant 0 : i32
        %dma_start3A_114 = arith.constant 0 : i32
        %dma_start3A_115 = tpu.memref_slice %arg11[%dma_start3A_113, %dma_start3A_114] : memref<10240x128xf32, #tpu.memory_space<vmem_shared>> -> memref<10240x128xf32, #tpu.memory_space<vmem_shared>>
        tpu.enqueue_indirect_dma source(%arg10 : memref<128x128xf32, #tpu.memory_space<vmem>>) target(%dma_start3A_115 : memref<10240x128xf32, #tpu.memory_space<vmem_shared>>) offsets(%dma_start3A_112 : memref<128xi32, #tpu.memory_space<vmem>>) semaphore(%run_scoped3A_109 : memref<!tpu.dma_semaphore, #tpu.memory_space<semaphore_mem>>) {add = true}
        %dma_wait3A_116 = arith.constant 0 : i32
        %dma_wait3A_117 = tpu.memref_slice %arg6[%run_scoped3A_102, %dma_wait3A_116] : memref<2x128xi32, #tpu.memory_space<vmem>> -> memref<1x128xi32, #tpu.memory_space<vmem>>
        %dma_wait3A_118 = tpu.memref_squeeze %dma_wait3A_117 : memref<1x128xi32, #tpu.memory_space<vmem>> -> memref<128xi32, #tpu.memory_space<vmem>>
        %dma_wait3A_119 = arith.constant 0 : i32
        %dma_wait3A_120 = arith.constant 0 : i32
        %dma_wait3A_121 = tpu.memref_slice %arg11[%dma_wait3A_119, %dma_wait3A_120] : memref<10240x128xf32, #tpu.memory_space<vmem_shared>> -> memref<10240x128xf32, #tpu.memory_space<vmem_shared>>
        tpu.wait_indirect_dma semaphore(%run_scoped3A_109 : memref<!tpu.dma_semaphore, #tpu.memory_space<semaphore_mem>>) src(%arg10 : memref<128x128xf32, #tpu.memory_space<vmem>>) dst(%dma_wait3A_121 : memref<10240x128xf32, #tpu.memory_space<vmem_shared>>)
        tpu.yield
      }) : () -> ()
      %add3A_103 = arith.constant 3 : i32
      %add3A_104 = arith.addi %mul3A_70, %add3A_103 : i32
      %lt3A_105 = arith.cmpi slt, %add3A_104, %select_n3A_8 : i32
      %convert_element_type3A_106 = arith.extui %lt3A_105 : i1 to i32
      %cond3A_107 = arith.constant 0 : i32
      %cond3A_108 = arith.cmpi ne, %convert_element_type3A_106, %cond3A_107 : i32
      scf.if %cond3A_108 {
        %add3A_109 = arith.addi %select_n3A, %mul3A_70 : i32
        %add3A_110 = arith.constant 3 : i32
        %add3A_111 = arith.addi %add3A_109, %add3A_110 : i32
        %dma_start3A_112 = arith.constant 0 : i32
        %dma_start3A_113 = arith.constant 0 : i32
        %dma_start3A_114 = tpu.memref_slice %arg3[%add3A_111, %dma_start3A_112, %dma_start3A_113] : memref<2624x2x128xi32, #tpu.memory_space<hbm>> -> memref<1x2x128xi32, #tpu.memory_space<hbm>>
        %dma_start3A_115 = tpu.memref_squeeze %dma_start3A_114 : memref<1x2x128xi32, #tpu.memory_space<hbm>> -> memref<2x128xi32, #tpu.memory_space<hbm>>
        %dma_start3A_116 = arith.constant 0 : i32
        %dma_start3A_117 = arith.constant 0 : i32
        %dma_start3A_118 = tpu.memref_slice %arg3[%add3A_111, %dma_start3A_116, %dma_start3A_117] : memref<2624x2x128xi32, #tpu.memory_space<hbm>> -> memref<1x2x128xi32, #tpu.memory_space<hbm>>
        %dma_start3A_119 = tpu.memref_squeeze %dma_start3A_118 : memref<1x2x128xi32, #tpu.memory_space<hbm>> -> memref<2x128xi32, #tpu.memory_space<hbm>>
        tpu.enqueue_dma source(%dma_start3A_119 : memref<2x128xi32, #tpu.memory_space<hbm>>) target(%arg6 : memref<2x128xi32, #tpu.memory_space<vmem>>) target_semaphore(%arg13 : memref<!tpu.dma_semaphore, #tpu.memory_space<semaphore_mem>>)
      } else {
      }
    }
    %barrier3A_63 = arith.constant 0 : index
    tpu.barrier barrier_id(%barrier3A_63)
    %mul3A_64 = arith.constant 640 : i32
    %mul3A_65 = arith.muli %arg1, %mul3A_64 : i32
    %mul3A_66 = arith.constant 640 : i32
    %mul3A_67 = arith.muli %arg1, %mul3A_66 : i32
    "tpu.region"() ({
      %run_scoped3A = tpu.sem_alloc : memref<!tpu.dma_semaphore, #tpu.memory_space<semaphore_mem>>
      %dma_start3A_68 = arith.constant 0 : i32
      %dma_start3A_69 = tpu.memref_slice %arg4[%arg0, %mul3A_67, %dma_start3A_68] : memref<2x10240x128xf32, #tpu.memory_space<hbm>> -> memref<1x640x128xf32, #tpu.memory_space<hbm>>
      %dma_start3A_70 = tpu.memref_squeeze %dma_start3A_69 : memref<1x640x128xf32, #tpu.memory_space<hbm>> -> memref<640x128xf32, #tpu.memory_space<hbm>>
      %dma_start3A_71 = arith.constant 0 : i32
      %dma_start3A_72 = tpu.memref_slice %arg11[%mul3A_65, %dma_start3A_71] : memref<10240x128xf32, #tpu.memory_space<vmem_shared>> -> memref<640x128xf32, #tpu.memory_space<vmem_shared>>
      tpu.enqueue_dma source(%dma_start3A_72 : memref<640x128xf32, #tpu.memory_space<vmem_shared>>) target(%dma_start3A_70 : memref<640x128xf32, #tpu.memory_space<hbm>>) target_semaphore(%run_scoped3A : memref<!tpu.dma_semaphore, #tpu.memory_space<semaphore_mem>>)
      %dma_wait3A = arith.constant 0 : i32
      %dma_wait3A_73 = tpu.memref_slice %arg4[%arg0, %mul3A_67, %dma_wait3A] : memref<2x10240x128xf32, #tpu.memory_space<hbm>> -> memref<1x640x128xf32, #tpu.memory_space<hbm>>
      %dma_wait3A_74 = tpu.memref_squeeze %dma_wait3A_73 : memref<1x640x128xf32, #tpu.memory_space<hbm>> -> memref<640x128xf32, #tpu.memory_space<hbm>>
      %dma_wait3A_75 = arith.constant 0 : i32
      %dma_wait3A_76 = tpu.memref_slice %arg11[%mul3A_65, %dma_wait3A_75] : memref<10240x128xf32, #tpu.memory_space<vmem_shared>> -> memref<640x128xf32, #tpu.memory_space<vmem_shared>>
      tpu.wait_dma2 semaphore(%run_scoped3A : memref<!tpu.dma_semaphore, #tpu.memory_space<semaphore_mem>>) src(%dma_wait3A_76 : memref<640x128xf32, #tpu.memory_space<vmem_shared>>) dst(%dma_wait3A_74 : memref<640x128xf32, #tpu.memory_space<hbm>>)
      tpu.yield
    }) : () -> ()
    return
  }
}

module attributes {stable_mosaic.version = 14 : i64} {
  func.func @_g1_body(%arg0: i32, %arg1: memref<1024x32xf32, #tpu.memory_space<vmem>>, %arg2: memref<1024x128xf32, #tpu.memory_space<vmem>>, %arg3: memref<128x128xf32, #tpu.memory_space<vmem>>, %arg4: memref<1024x128xf32, #tpu.memory_space<vmem>>) attributes {dimension_semantics = [#tpu.dimension_semantics<arbitrary>], iteration_bounds = array<i64: 10>, scalar_prefetch = 0 : i64, scratch_operands = 0 : i64, tpu.core_type = #tpu.core_type<tc>, window_params = [{transform_indices = @transform_0, window_bounds = array<i64: 1024, 32>}, {transform_indices = @transform_1, window_bounds = array<i64: 1024, 128>}, {pipeline_mode = #tpu.pipeline_mode<synchronous>, transform_indices = @transform_2, window_bounds = array<i64: 128, 128>}, {transform_indices = @transform_3, window_bounds = array<i64: 1024, 128>}]} {
    %get3A = arith.constant 0 : index
    %get3A_0 = arith.constant 0 : index
    %get3A_1 = vector.load %arg1[%get3A, %get3A_0] : memref<1024x32xf32, #tpu.memory_space<vmem>>, vector<1024x32xf32>
    %reduce_sum3A = arith.constant dense<0.000000e+00> : vector<1024xf32>
    %reduce_sum3A_2 = vector.multi_reduction <add>, %get3A_1, %reduce_sum3A [1] : vector<1024x32xf32> to vector<1024xf32>
    %broadcast_in_dim3A = vector.shape_cast %reduce_sum3A_2 : vector<1024xf32> to vector<1024x1xf32>
    %gt3A = arith.constant 0.000000e+00 : f32
    %gt3A_3 = vector.broadcast %gt3A : f32 to vector<1024x1xf32>
    %gt3A_4 = arith.cmpf ogt, %broadcast_in_dim3A, %gt3A_3 : vector<1024x1xf32>
    %rsqrt3A = math.rsqrt %broadcast_in_dim3A : vector<1024x1xf32>
    %jit3A = arith.constant 0.000000e+00 : f32
    %broadcast_in_dim3A_5 = vector.broadcast %jit3A : f32 to vector<1024x1xf32>
    %select_n3A = arith.select %gt3A_4, %rsqrt3A, %broadcast_in_dim3A_5 : vector<1024x1xi1>, vector<1024x1xf32>
    %get3A_6 = arith.constant 0 : index
    %get3A_7 = arith.constant 0 : index
    %get3A_8 = vector.load %arg2[%get3A_6, %get3A_7] : memref<1024x128xf32, #tpu.memory_space<vmem>>, vector<1024x128xf32>
    %get3A_9 = arith.constant 0 : index
    %get3A_10 = arith.constant 0 : index
    %get3A_11 = vector.load %arg3[%get3A_9, %get3A_10] : memref<128x128xf32, #tpu.memory_space<vmem>>, vector<128x128xf32>
    %dot_general3A = arith.constant dense<0.000000e+00> : vector<1024x128xf32>
    %dot_general3A_12 = tpu.matmul %get3A_8, %get3A_11, %dot_general3A {dimension_numbers = #tpu.dot_dimension_numbers<[1], [0], [0], [1], [0, 0, 1, 1], [], []>, transpose_lhs_hint = false} : vector<1024x128xf32>, vector<128x128xf32>, vector<1024x128xf32> -> vector<1024x128xf32>
    %mul3A = vector.broadcast %select_n3A : vector<1024x1xf32> to vector<1024x128xf32>
    %mul3A_13 = arith.mulf %mul3A, %dot_general3A_12 : vector<1024x128xf32>
    %swap3A = arith.constant 0 : index
    %swap3A_14 = arith.constant 0 : index
    %swap3A_15 = vector.load %arg4[%swap3A, %swap3A_14] : memref<1024x128xf32, #tpu.memory_space<vmem>>, vector<1024x128xf32>
    tpu.vector_store %arg4[%swap3A, %swap3A_14], %mul3A_13 {strides = array<i32>} : memref<1024x128xf32, #tpu.memory_space<vmem>>, vector<1024x128xf32>,
    return
  }
  func.func @transform_0(%arg0: i32) -> (i32, i32) {
    %c0_i32 = arith.constant 0 : i32
    %c0_i32_0 = arith.constant 0 : i32
    return %arg0, %c0_i32 : i32, i32
  }
  func.func @transform_1(%arg0: i32) -> (i32, i32) {
    %c0_i32 = arith.constant 0 : i32
    %c0_i32_0 = arith.constant 0 : i32
    return %arg0, %c0_i32 : i32, i32
  }
  func.func @transform_2(%arg0: i32) -> (i32, i32) {
    %c0_i32 = arith.constant 0 : i32
    %c0_i32_0 = arith.constant 0 : i32
    %c0_i32_1 = arith.constant 0 : i32
    return %c0_i32, %c0_i32_0 : i32, i32
  }
  func.func @transform_3(%arg0: i32) -> (i32, i32) {
    %c0_i32 = arith.constant 0 : i32
    %c0_i32_0 = arith.constant 0 : i32
    return %arg0, %c0_i32 : i32, i32
  }
}

module attributes {stable_mosaic.version = 14 : i64} {
  func.func @_mid_body(%arg0: i32, %arg1: memref<2x1024x128xf32, #tpu.memory_space<vmem>>, %arg2: memref<1024x32xf32, #tpu.memory_space<vmem>>, %arg3: memref<1x128xf32, #tpu.memory_space<vmem>>, %arg4: memref<128x128xf32, #tpu.memory_space<vmem>>, %arg5: memref<1024x128xf32, #tpu.memory_space<vmem>>) attributes {dimension_semantics = [#tpu.dimension_semantics<arbitrary>], iteration_bounds = array<i64: 10>, scalar_prefetch = 0 : i64, scratch_operands = 0 : i64, tpu.core_type = #tpu.core_type<tc>, window_params = [{transform_indices = @transform_0, window_bounds = array<i64: 2, 1024, 128>}, {transform_indices = @transform_1, window_bounds = array<i64: 1024, 32>}, {pipeline_mode = #tpu.pipeline_mode<synchronous>, transform_indices = @transform_2, window_bounds = array<i64: 1, 128>}, {pipeline_mode = #tpu.pipeline_mode<synchronous>, transform_indices = @transform_3, window_bounds = array<i64: 128, 128>}, {transform_indices = @transform_4, window_bounds = array<i64: 1024, 128>}]} {
    %get3A = arith.constant 0 : index
    %get3A_0 = arith.constant 0 : index
    %get3A_1 = vector.load %arg2[%get3A, %get3A_0] : memref<1024x32xf32, #tpu.memory_space<vmem>>, vector<1024x32xf32>
    %reduce_sum3A = arith.constant dense<0.000000e+00> : vector<1024xf32>
    %reduce_sum3A_2 = vector.multi_reduction <add>, %get3A_1, %reduce_sum3A [1] : vector<1024x32xf32> to vector<1024xf32>
    %broadcast_in_dim3A = vector.shape_cast %reduce_sum3A_2 : vector<1024xf32> to vector<1024x1xf32>
    %gt3A = arith.constant 0.000000e+00 : f32
    %gt3A_3 = vector.broadcast %gt3A : f32 to vector<1024x1xf32>
    %gt3A_4 = arith.cmpf ogt, %broadcast_in_dim3A, %gt3A_3 : vector<1024x1xf32>
    %rsqrt3A = math.rsqrt %broadcast_in_dim3A : vector<1024x1xf32>
    %jit3A = arith.constant 0.000000e+00 : f32
    %broadcast_in_dim3A_5 = vector.broadcast %jit3A : f32 to vector<1024x1xf32>
    %select_n3A = arith.select %gt3A_4, %rsqrt3A, %broadcast_in_dim3A_5 : vector<1024x1xi1>, vector<1024x1xf32>
    %get3A_6 = arith.constant 0 : index
    %get3A_7 = arith.constant 0 : index
    %get3A_8 = arith.constant 0 : index
    %get3A_9 = vector.load %arg1[%get3A_6, %get3A_7, %get3A_8] : memref<2x1024x128xf32, #tpu.memory_space<vmem>>, vector<1x1024x128xf32>
    %get3A_10 = vector.shape_cast %get3A_9 : vector<1x1024x128xf32> to vector<1024x128xf32>
    %get3A_11 = arith.constant 1 : index
    %get3A_12 = arith.constant 0 : index
    %get3A_13 = arith.constant 0 : index
    %get3A_14 = vector.load %arg1[%get3A_11, %get3A_12, %get3A_13] : memref<2x1024x128xf32, #tpu.memory_space<vmem>>, vector<1x1024x128xf32>
    %get3A_15 = vector.shape_cast %get3A_14 : vector<1x1024x128xf32> to vector<1024x128xf32>
    %add3A = arith.addf %get3A_10, %get3A_15 : vector<1024x128xf32>
    %mul3A = vector.broadcast %select_n3A : vector<1024x1xf32> to vector<1024x128xf32>
    %mul3A_16 = arith.mulf %mul3A, %add3A : vector<1024x128xf32>
    %get3A_17 = arith.constant 0 : index
    %get3A_18 = arith.constant 0 : index
    %get3A_19 = vector.load %arg3[%get3A_17, %get3A_18] : memref<1x128xf32, #tpu.memory_space<vmem>>, vector<1x128xf32>
    %add3A_20 = vector.broadcast %get3A_19 : vector<1x128xf32> to vector<1024x128xf32>
    %add3A_21 = arith.addf %mul3A_16, %add3A_20 : vector<1024x128xf32>
    %max3A = arith.constant 0.000000e+00 : f32
    %max3A_22 = vector.broadcast %max3A : f32 to vector<1024x128xf32>
    %max3A_23 = arith.maximumf %add3A_21, %max3A_22 : vector<1024x128xf32>
    %get3A_24 = arith.constant 0 : index
    %get3A_25 = arith.constant 0 : index
    %get3A_26 = vector.load %arg4[%get3A_24, %get3A_25] : memref<128x128xf32, #tpu.memory_space<vmem>>, vector<128x128xf32>
    %dot_general3A = arith.constant dense<0.000000e+00> : vector<1024x128xf32>
    %dot_general3A_27 = tpu.matmul %max3A_23, %get3A_26, %dot_general3A {dimension_numbers = #tpu.dot_dimension_numbers<[1], [0], [0], [1], [0, 0, 1, 1], [], []>, transpose_lhs_hint = false} : vector<1024x128xf32>, vector<128x128xf32>, vector<1024x128xf32> -> vector<1024x128xf32>
    %mul3A_28 = vector.broadcast %select_n3A : vector<1024x1xf32> to vector<1024x128xf32>
    %mul3A_29 = arith.mulf %mul3A_28, %dot_general3A_27 : vector<1024x128xf32>
    %swap3A = arith.constant 0 : index
    %swap3A_30 = arith.constant 0 : index
    %swap3A_31 = vector.load %arg5[%swap3A, %swap3A_30] : memref<1024x128xf32, #tpu.memory_space<vmem>>, vector<1024x128xf32>
    tpu.vector_store %arg5[%swap3A, %swap3A_30], %mul3A_29 {strides = array<i32>} : memref<1024x128xf32, #tpu.memory_space<vmem>>, vector<1024x128xf32>,
    return
  }
  func.func @transform_0(%arg0: i32) -> (i32, i32, i32) {
    %c0_i32 = arith.constant 0 : i32
    %c0_i32_0 = arith.constant 0 : i32
    %c0_i32_1 = arith.constant 0 : i32
    return %c0_i32, %arg0, %c0_i32_0 : i32, i32, i32
  }
  func.func @transform_1(%arg0: i32) -> (i32, i32) {
    %c0_i32 = arith.constant 0 : i32
    %c0_i32_0 = arith.constant 0 : i32
    return %arg0, %c0_i32 : i32, i32
  }
  func.func @transform_2(%arg0: i32) -> (i32, i32) {
    %c0_i32 = arith.constant 0 : i32
    %c0_i32_0 = arith.constant 0 : i32
    %c0_i32_1 = arith.constant 0 : i32
    return %c0_i32, %c0_i32_0 : i32, i32
  }
  func.func @transform_3(%arg0: i32) -> (i32, i32) {
    %c0_i32 = arith.constant 0 : i32
    %c0_i32_0 = arith.constant 0 : i32
    %c0_i32_1 = arith.constant 0 : i32
    return %c0_i32, %c0_i32_0 : i32, i32
  }
  func.func @transform_4(%arg0: i32) -> (i32, i32) {
    %c0_i32 = arith.constant 0 : i32
    %c0_i32_0 = arith.constant 0 : i32
    return %arg0, %c0_i32 : i32, i32
  }
}

module attributes {stable_mosaic.version = 14 : i64} {
  func.func @_fin_body(%arg0: i32, %arg1: memref<2x1000x128xf32, #tpu.memory_space<vmem>>, %arg2: memref<1000x32xf32, #tpu.memory_space<vmem>>, %arg3: memref<1x128xf32, #tpu.memory_space<vmem>>, %arg4: memref<1000x128xf32, #tpu.memory_space<vmem>>) attributes {dimension_semantics = [#tpu.dimension_semantics<arbitrary>], iteration_bounds = array<i64: 10>, scalar_prefetch = 0 : i64, scratch_operands = 0 : i64, tpu.core_type = #tpu.core_type<tc>, window_params = [{transform_indices = @transform_0, window_bounds = array<i64: 2, 1000, 128>}, {transform_indices = @transform_1, window_bounds = array<i64: 1000, 32>}, {pipeline_mode = #tpu.pipeline_mode<synchronous>, transform_indices = @transform_2, window_bounds = array<i64: 1, 128>}, {transform_indices = @transform_3, window_bounds = array<i64: 1000, 128>}]} {
    %get3A = arith.constant 0 : index
    %get3A_0 = arith.constant 0 : index
    %get3A_1 = vector.load %arg2[%get3A, %get3A_0] : memref<1000x32xf32, #tpu.memory_space<vmem>>, vector<1000x32xf32>
    %reduce_sum3A = arith.constant dense<0.000000e+00> : vector<1000xf32>
    %reduce_sum3A_2 = vector.multi_reduction <add>, %get3A_1, %reduce_sum3A [1] : vector<1000x32xf32> to vector<1000xf32>
    %broadcast_in_dim3A = vector.shape_cast %reduce_sum3A_2 : vector<1000xf32> to vector<1000x1xf32>
    %gt3A = arith.constant 0.000000e+00 : f32
    %gt3A_3 = vector.broadcast %gt3A : f32 to vector<1000x1xf32>
    %gt3A_4 = arith.cmpf ogt, %broadcast_in_dim3A, %gt3A_3 : vector<1000x1xf32>
    %rsqrt3A = math.rsqrt %broadcast_in_dim3A : vector<1000x1xf32>
    %jit3A = arith.constant 0.000000e+00 : f32
    %broadcast_in_dim3A_5 = vector.broadcast %jit3A : f32 to vector<1000x1xf32>
    %select_n3A = arith.select %gt3A_4, %rsqrt3A, %broadcast_in_dim3A_5 : vector<1000x1xi1>, vector<1000x1xf32>
    %get3A_6 = arith.constant 0 : index
    %get3A_7 = arith.constant 0 : index
    %get3A_8 = arith.constant 0 : index
    %get3A_9 = vector.load %arg1[%get3A_6, %get3A_7, %get3A_8] : memref<2x1000x128xf32, #tpu.memory_space<vmem>>, vector<1x1000x128xf32>
    %get3A_10 = vector.shape_cast %get3A_9 : vector<1x1000x128xf32> to vector<1000x128xf32>
    %get3A_11 = arith.constant 1 : index
    %get3A_12 = arith.constant 0 : index
    %get3A_13 = arith.constant 0 : index
    %get3A_14 = vector.load %arg1[%get3A_11, %get3A_12, %get3A_13] : memref<2x1000x128xf32, #tpu.memory_space<vmem>>, vector<1x1000x128xf32>
    %get3A_15 = vector.shape_cast %get3A_14 : vector<1x1000x128xf32> to vector<1000x128xf32>
    %add3A = arith.addf %get3A_10, %get3A_15 : vector<1000x128xf32>
    %mul3A = vector.broadcast %select_n3A : vector<1000x1xf32> to vector<1000x128xf32>
    %mul3A_16 = arith.mulf %mul3A, %add3A : vector<1000x128xf32>
    %get3A_17 = arith.constant 0 : index
    %get3A_18 = arith.constant 0 : index
    %get3A_19 = vector.load %arg3[%get3A_17, %get3A_18] : memref<1x128xf32, #tpu.memory_space<vmem>>, vector<1x128xf32>
    %add3A_20 = vector.broadcast %get3A_19 : vector<1x128xf32> to vector<1000x128xf32>
    %add3A_21 = arith.addf %mul3A_16, %add3A_20 : vector<1000x128xf32>
    %swap3A = arith.constant 0 : index
    %swap3A_22 = arith.constant 0 : index
    %swap3A_23 = vector.load %arg4[%swap3A, %swap3A_22] : memref<1000x128xf32, #tpu.memory_space<vmem>>, vector<1000x128xf32>
    tpu.vector_store %arg4[%swap3A, %swap3A_22], %add3A_21 {strides = array<i32>} : memref<1000x128xf32, #tpu.memory_space<vmem>>, vector<1000x128xf32>,
    return
  }
  func.func @transform_0(%arg0: i32) -> (i32, i32, i32) {
    %c0_i32 = arith.constant 0 : i32
    %c0_i32_0 = arith.constant 0 : i32
    %c0_i32_1 = arith.constant 0 : i32
    return %c0_i32, %arg0, %c0_i32_0 : i32, i32, i32
  }
  func.func @transform_1(%arg0: i32) -> (i32, i32) {
    %c0_i32 = arith.constant 0 : i32
    %c0_i32_0 = arith.constant 0 : i32
    return %arg0, %c0_i32 : i32, i32
  }
  func.func @transform_2(%arg0: i32) -> (i32, i32) {
    %c0_i32 = arith.constant 0 : i32
    %c0_i32_0 = arith.constant 0 : i32
    %c0_i32_1 = arith.constant 0 : i32
    return %c0_i32, %c0_i32_0 : i32, i32
  }
  func.func @transform_3(%arg0: i32) -> (i32, i32) {
    %c0_i32 = arith.constant 0 : i32
    %c0_i32_0 = arith.constant 0 : i32
    return %arg0, %c0_i32 : i32, i32
  }
}

</mosaic_0001>

<sc_bundles>
// kernel: kernel.11.cloned.1.call-start
scs
__scs_entry_jumppad:
0x0: {  	(pc) =	sbr.rel $0x88, $3  }
0x1: {  	(tag) =	ssettag $0x0;
	lr =	simm.s32 $0x1  }
0x2: {  	[smem:$0x3F9B] =	sst lr;
	_ =	strace $0xD0000000  }
0x3: {  	_ = 	snop  }
0x4: {  	_ = 	snop  }
0x5: {  	_ = 	snop  }
0x6: {  	_ = 	snop  }
0x7: {  	_ = 	snop  }
__scs_overlays_trampoline_lowered:
0x8: {  	[smem:$0x3FAA] =	sst s0  }
0x9: {  	[smem:$0x3FAB] =	sst s1  }
0xa: {  	[smem:$0x3FAC] =	sst s2  }
0xb: {  	[smem:$0x3FAD] =	sst s3  }
0xc: {  	[smem:$0x3FAE] =	sst s4  }
0xd: {  	[smem:$0x3FAF] =	sst s5  }
0xe: {  	[smem:$0x3FB0] =	sst s6  }
0xf: {  	[smem:$0x3FB1] =	sst s7  }
0x10: {  	[smem:$0x3FB2] =	sst s8  }
0x11: {  	[smem:$0x3FB3] =	sst s9;
	s0 =	simm.s32 @!p0 $0x0  }
0x12: {  	s1 =	sld [smem:$0x3F99];
	s0 =	simm.s32 @p0 $0x1  }
0x13: {  	[smem:$0x3FB4] =	sst s0;
	s0 =	simm.s32 @!p1 $0x0  }
0x14: {  	s2 =	sld [smem:$0x3F98];
	s0 =	simm.s32 @p1 $0x1  }
0x15: {  	[smem:$0x3FB5] =	sst s0;
	s0 =	simm.s32 @!p2 $0x0  }
0x16: {  	s3 =	sld [smem:$0x3FDB];
	s0 =	simm.s32 @p2 $0x1  }
0x17: {  	s4 =	simm.s32 $0x1BF5;
	[smem:$0x3FB7] =	sst s0  }
0x18: {  	s0 =	sld [smem:$0x3F9A];
	_ =	swait.ge [sflag:s4], $0x0  }
0x19: {  	s7 =	sld [smem:$0x3F9B]  }
0x1a: {  	s8 =	sadd.s32 $0xFFFFE003, lr  }
0x1b: {  	s9 =	sadd.s32 $0xFFFFFEF7, lr;
	s5 =	simm.s32 $0xFFFFFFFF;
	p2 =	slt.u32 s8, $0xFFFFF086  }
0x1c: {  	p1 =	slt.u32 s9, $0xF7A;
	s5 =	simm.s32 @!p2 $0x0  }
0x1d: {  	s5 =	simm.s32 @p1 $0x1;
	p0 =	seq.s32 s7, s2  }
0x1e: {  	s7 =	smul.u32 @!p0 $0xF7A, s2;
	p2 =	seq.s32 @!p0 s5, $0x0  }
0x1f: {  	s9 =	smul.u32 $0xF7A, s1;
	s8 =	simm.s32 @!p0 $0x1BF5;
	p2 =	por !p2, p0  }
0x20: {  	[sflag:s8] =	ssyncset.s32 @!p0 $0xFFFFF086;
	s6 =	sadd.s32 @!p0 s3, s7;
	s7 =	simm.s32 @!p0 $0x108  }
0x21: {  	s3 =	sadd.s32 s3, s9;
	s6 =	sadd.s32 @!p0 $0x88, s6;
	s7 =	simm.s32 @p2 $0x1082  }
0x22: {  	[simem:s7], [sflag:s8] =	dma.local @!p0 [hbm:s6], $0xF7A  }
0x23: {  	s9 =	sor.u32 $0xD0000000, s2;
	s6 =	simm.s32 $0x108;
	_ =	swait.ge @!p0 [sflag:s8], $0x0  }
0x24: {  	s3 =	sadd.s32 $0x88, s3;
	s6 =	simm.s32 @!p1 $0x1082;
	[sflag:s4] =	ssyncset.s32 $0xFFFFF086  }
0x25: {  	[simem:s6], [sflag:s4] =	dma.local [hbm:s3], $0xF7A  }
0x26: {  	[smem:$0x3F9B] =	sst s1;
	(tag) =	ssettag s2;
	_ =	strace s9  }
0x27: {  	s1 =	sld [smem:$0x3FAB]  }
0x28: {  	s2 =	sld [smem:$0x3FAC]  }
0x29: {  	s4 =	sld [smem:$0x3FAE]  }
0x2a: {  	p0 =	seq.s32 s5, $0x0;
	s5 =	sld [smem:$0x3FAF]  }
0x2b: {  	s6 =	sld [smem:$0x3FB0]  }
0x2c: {  	s7 =	sld [smem:$0x3FB1]  }
0x2d: {  	s3 =	simm.s32 $0x108;
	s8 =	sld [smem:$0x3FB2]  }
0x2e: {  	s3 =	simm.s32 @!p0 $0x1082;
	s9 =	sld [smem:$0x3FB3]  }
0x2f: {  	lr =	sadd.s32 s0, s3;
	s0 =	sld [smem:$0x3FAA]  }
0x30: {  	s3 =	sld [smem:$0x3FAD]  }
0x31: {  	[smem:$0x3FB6] =	sst s10  }
0x32: {  	s10 =	sld [smem:$0x3FB4];
	_ =	sdelay $0x3  }
0x33: {  	p0 =	seq.s32 s10, $0x1;
	s10 =	sld [smem:$0x3FB6];
	_ =	sdelay $0x3  }
0x34: {  	[smem:$0x3FB6] =	sst s10  }
0x35: {  	s10 =	sld [smem:$0x3FB5];
	_ =	sdelay $0x3  }
0x36: {  	p1 =	seq.s32 s10, $0x1;
	s10 =	sld [smem:$0x3FB6];
	_ =	sdelay $0x3  }
0x37: {  	[smem:$0x3FB6] =	sst s10  }
0x38: {  	s10 =	sld [smem:$0x3FB7]  }
0x39: {  	_ = 	snop;
	(pc) =	sbr.ind lr, $3  }
0x3a: {  	_ = 	snop  }
0x3b: {  	_ = 	snop  }
0x3c: {  	p2 =	seq.s32 s10, $0x1;
	s10 =	sld [smem:$0x3FB6]  }
0x3d: {  	_ =	shalt  }
0x3e: {  	_ =	shalt  }
0x3f: {  	_ =	shalt  }
0x40: {  	_ =	shalt  }
0x41: {  	_ =	shalt  }
0x42: {  	_ =	shalt  }
0x43: {  	_ =	shalt  }
0x44: {  	_ =	shalt  }
0x45: {  	_ =	shalt  }
0x46: {  	_ =	shalt  }
0x47: {  	_ =	shalt  }
0x48: {  	_ =	shalt  }
0x49: {  	_ =	shalt  }
0x4a: {  	_ =	shalt  }
0x4b: {  	_ =	shalt  }
0x4c: {  	_ =	shalt  }
0x4d: {  	_ =	shalt  }
0x4e: {  	_ =	shalt  }
0x4f: {  	_ =	shalt  }
0x50: {  	_ =	shalt  }
0x51: {  	_ =	shalt  }
0x52: {  	_ =	shalt  }
0x53: {  	_ =	shalt  }
0x54: {  	_ =	shalt  }
0x55: {  	_ =	shalt  }
0x56: {  	_ =	shalt  }
0x57: {  	_ =	shalt  }
0x58: {  	_ =	shalt  }
0x59: {  	_ =	shalt  }
0x5a: {  	_ =	shalt  }
0x5b: {  	_ =	shalt  }
0x5c: {  	_ =	shalt  }
0x5d: {  	_ =	shalt  }
0x5e: {  	_ =	shalt  }
0x5f: {  	_ =	shalt  }
0x60: {  	_ =	shalt  }
0x61: {  	_ =	shalt  }
0x62: {  	_ =	shalt  }
0x63: {  	_ =	shalt  }
0x64: {  	_ =	shalt  }
0x65: {  	_ =	shalt  }
0x66: {  	_ =	shalt  }
0x67: {  	_ =	shalt  }
0x68: {  	_ =	shalt  }
0x69: {  	_ =	shalt  }
0x6a: {  	_ =	shalt  }
0x6b: {  	_ =	shalt  }
0x6c: {  	_ =	shalt  }
0x6d: {  	_ =	shalt  }
0x6e: {  	_ =	shalt  }
0x6f: {  	_ =	shalt  }
0x70: {  	_ =	shalt  }
0x71: {  	_ =	shalt  }
0x72: {  	_ =	shalt  }
0x73: {  	_ =	shalt  }
0x74: {  	_ =	shalt  }
0x75: {  	_ =	shalt  }
0x76: {  	_ =	shalt  }
0x77: {  	_ =	shalt  }
0x78: {  	_ =	shalt  }
0x79: {  	_ =	shalt  }
0x7a: {  	_ =	shalt  }
0x7b: {  	_ =	shalt  }
0x7c: {  	_ =	shalt  }
0x7d: {  	_ =	shalt  }
0x7e: {  	_ =	shalt  }
0x7f: {  	_ =	shalt  }
0x80: {  	_ =	shalt  }
0x81: {  	_ =	shalt  }
0x82: {  	_ =	shalt  }
0x83: {  	_ =	shalt  }
0x84: {  	_ =	shalt  }
0x85: {  	_ =	shalt  }
0x86: {  	_ =	shalt  }
0x87: {  	_ =	shalt  }
.Lfunc_end0:
.L_simem_size_0:
called_computation.1_lowered:
.L_overlay_start_0:
0x88: {  	s2 =	sld [smem:$0x3FD9]  }
0x89: {  	s3 =	sld [smem:$0x3FFE];
	_ =	sdelay $0x1  }
0x8a: {  	s1 =	srdreg.scid  }
0x8b: {  	s0 =	sand.u32 $0x1, s1  }
0x8c: {  	s17 =	sshll.u32 s0, $0xA;
	s2 =	sadd.s32 s3, s2  }
0x8d: {  	s2 =	sadd.s32 s2, s17  }
0x8e: {  	[smem:$0x3FC2] =	sst s2  }
0x8f: {  	_ = 	snop  }
0x90: {  	s2 =	sld [smem:$0x3FD0];
	(tm) =	ssettm $0x1  }
0x91: {  	s18 =	sld [smem:$0x3FFB];
	_ =	sdelay $0x3  }
0x92: {  	_ =	strace s18  }
0x93: {  	s3 =	sld [smem:$0x3FFC];
	_ =	sdelay $0x3  }
0x94: {  	_ =	strace s3  }
0x95: {  	s3 =	sld [smem:$0x3FFD];
	_ =	sdelay $0x3  }
0x96: {  	_ =	strace s3  }
0x97: {  	_ =	strace $0x8FFFFFFF  }
0x98: {  	s19 =	sld [smem:$0x3FDB];
	_ =	sdelay $0x1  }
0x99: {  	s4 =	simm.s32 $_scs_section_size  }
0x9a: {  	s5 =	simm.s32 $_size__tile_overlayer_lowered;
	s6 =	simm.s32 $_tile_overlayer_lowered  }
0x9b: {  	s22 =	simm.s32 $0x1BFF;
	s21 =	sshll.u32 s6, $0x1;
	s3 =	sadd.s32 s4, s19  }
0x9c: {  	s7 =	simm.s32 $0x0;
	s20 =	sshll.u32 s5, $0x1;
	s5 =	sadd.s32 s21, s3  }
0x9d: {  	[timem:s7], [sflag:s22] =	dma.local [hbm:s5], s20  }
0x9e: {  	_ =	swait.ge [sflag:s22], s20  }
0x9f: {  	s4 =	ssub.s32 $0x0, s20;
	[sflag:s22] =	ssyncset.done $0x0  }
0xa0: {  	[sflag:s22] =	ssyncadd.s32 s4;
	_ =	sdelay $0x1  }
0xa1: {  	s23 =	simm.s32 $0x1B8B  }
0xa2: {  	_ =	swait.ge [sflag:s23], $0x1  }
0xa3: {  	[sflag:s23] =	ssyncset.done $0x0  }
0xa4: {  	s25 =	simm.s32 $0x1B8E;
	s24 =	sld [smem:$0x3FFE];
	[sflag:s23] =	ssyncadd.s32 $0xFFFFFFFF  }
0xa5: {  	s26 =	simm.s32 $execute0_lowered;
	[smem:$0x3FD2] =	sst s25  }
0xa6: {  	s5 =	sshll.u32 s26, $0x1;
	_ =	strace $0x80000049;
	[dreg:$0x1] =	wrdreg $0xFFFFFFFF  }
0xa7: {  	s28 =	simm.s32 $_size_execute0_lowered;
	s3 =	sadd.s32 s3, s5;
	[dreg:$0x0] =	wrdreg $0x0  }
0xa8: {  	s5 =	sshll.u32 s28, $0x1;
	[dreg:$0x2] =	wrdreg s3  }
0xa9: {  	[dreg:$0x3] =	wrdreg s5  }
0xaa: {  	[dreg:$0x4] =	wrdreg $0xC0  }
0xab: {  	_ =	task [dreg:s7], $0x5FFFF  }
0xac: {  	[dreg:$0x1] =	wrdreg $0xFFFFFFFF  }
0xad: {  	[dreg:$0x0] =	wrdreg $0x60  }
0xae: {  	[dreg:$0x2] =	wrdreg s24  }
0xaf: {  	[dreg:$0x3] =	wrdreg s2  }
0xb0: {  	[dreg:$0x4] =	wrdreg $0x82000  }
0xb1: {  	[dreg:$0x5] =	wrdreg $0x9  }
0xb2: {  	_ =	task.clear_ibuf [dreg:s7], $0x6FFFF;
	_ =	strace $0x90000049  }
0xb3: {  	s29 =	simm.s32 $0x9;
	_ =	strace $0x8000004B  }
0xb4: {  	_ =	swait.ge [sflag:s29], $0x1  }
0xb5: {  	[sflag:s29] =	ssyncadd.s32 $0xFFFFFFFF  }
0xb6: {  	_ =	strace $0x9000004B  }
0xb7: {  	_ =	sfence  }
0xb8: {  	s30 =	sld [smem:$0x0];
	_ =	sdelay $0x2  }
0xb9: {  	s31 =	sshll.u32 s1, $0xD;
	s1 =	sshrl.u32 s1, $0x2  }
0xba: {  	s3 =	sand.u32 $0x4000, s31;
	s1 =	sadd.s32 s1, s30  }
0xbb: {  	s0 =	sor.u32 s3, s0;
	s1 =	sshll.u32 s1, $0x11  }
0xbc: {  	s0 =	sor.u32 s1, s0  }
0xbd: {  	s0 =	sadd.s32 $0x8F2B, s0  }
0xbe: {  	[sflag:s0] =	ssyncadd.remote.s32 $0x1  }
0xbf: {  	_ =	sfence.sel $0xFFFF  }
0xc0: {  	[dreg:$0x0] =	wrdreg $0xFFFFFFFF;
	(pc) =	sbr.abs _section_cstart, $3  }
0xc1: {  	[dreg:$0x1] =	wrdreg $0xFFFFFFFF  }
0xc2: {  	_ =	task.clear_ibuf [dreg:s7], $0x2FFFF;
	_ =	strace $0x9FFFFFFF  }
0xc3: {  	(tm) =	ssettm $0x7FFFFFFF  }
tec
execute0_lowered:
.L_overlay_start_1:
0x0: {  	(tag) =	ssettag $0x1  }
0x1: {  	s5 =	rddreg [dreg:$0x0]  }
0x2: {  	s6 =	rddreg [dreg:$0x1]  }
0x3: {  	s2 =	rddreg [dreg:$0x2]  }
0x4: {  	s0 =	srdreg.scid;
	s1 =	rddreg [dreg:$0x3];
	s3 =	simm.s32 $0x0  }
0x5: {  	s11 =	simm.s32 $0x9A;
	s14 =	simm.s32 $0x200;
	s15 =	simm.s32 $0x5  }
0x6: {  	s16 =	simm.s32 $0x80;
	s17 =	simm.s32 $0x100;
	s18 =	simm.s32 $0x2  }
0x7: {  	s19 =	simm.s32 $0x4200;
	s20 =	simm.s32 $0x3;
	s7 =	sand.u32 $0x1, s0  }
0x8: {  	s21 =	simm.s32 $0x4;
	s0 =	stileid.u32;
	s4 =	smul.u32 $0x140000, s7  }
0x9: {  	s22 =	simm.s32 $0x180;
	[smem:$0x7FF] =	sst s3;
	s8 =	smul.u32 $0x14000, s0  }
0xa: {  	_ =	strace $0x8000004A;
	s9 =	smul.u32 $0xA, s0;
	s10 =	ssub.s32 $0x2, s7  }
0xb: {  	p0 =	seq.s32 s7, $0x0;
	s30 =	smul.u32 $0x50000, s0;
	s4 =	sadd.s32 s8, s4  }
0xc: {  	s29 =	sshrl.u32 s10, $0x1;
	s11 =	simm.s32 @!p0 $0xA;
	s8 =	sshrl.u32 s4, $0x3  }
0xd: {  	s4 =	sadd.s32 $0x1C00, s5;
	s8 =	sadd.s32 s8, s5;
	s5 =	smul.u32 $0x9A, s0  }
0xe: {  	s7 =	sadd.s32 $0x9A0, s9;
	s9 =	ssub.s32 s10, s29;
	s31 =	sshrl.u32 s30, $0x2  }
0xf: {  	s12 =	sshrl.u32 s11, $0x1;
	s10 =	sadd.s32 $0xFFFFFFFE, s11;
	s7 =	smov.u32 @p0 s5  }
0x10: {  	s11 =	sadd.s32 $0xFFFFFFFD, s11;
	s9 =	smax.u32 s9, $0x1;
	s7 =	sshll.u32 s7, $0x5  }
0x11: {  	s12 =	sadd.s32 $0xFFFFFFFF, s12;
	s8 =	sadd.s32 $0x29C00, s8;
	s5 =	sadd.s32 s6, s7  }
0x12: {  	v0 =	vimm.f32 $0.0e+00;
	s6 =	sadd.s32 s31, s2;
	s7 =	sadd.s32 $0x20, s5;
	s13 =	sadd.s32 $0x60, s5  }
.LBB2_1:
0x13: {  	s23 =	simm.s32 $0x0;
	s24 =	simm.s32 $0x0  }
.LBB2_2:
0x14: {  	p0 =	sne.s32 s24, $0x1FC0  }
.Ltmp0:
0x15: {  	_ = 	snop;
	(pc) =	sbr.rel @p0 .LBB2_2-.Ltmp0, $4  }
0x16: {  	s25 =	sand.u32 $0x1E00, s24  }
0x17: {  	s26 =	sand.u32 $0x70, s23;
	s25 =	sshrl.u32 s25, $0x2  }
0x18: {  	s25 =	sor.u32 s26, s25  }
0x19: {  	s23 =	sadd.s32 $0x10, s23;
	s24 =	sadd.s32 $0x40, s24;
	[tilespmem:s25+$0x200] =	vst v0  }
0x1a: {  	s23 =	sadd.s32 $0x0, s6  }
0x1b: {  	[spmem:s23] =	stream.linear.scatter [tilespmem:s14], [sflag:$0x5], $0x800, $0x38;
	[tilespmem:$0x1C200] =	vst v63  }
0x1c: {  	s23 =	simm.s32 $0x2000;
	_ =	swait.ge [sflag:s15], $0x800  }
.LBB2_4:
0x1d: {  	s24 =	sshra.s32 s23, $0x2;
	[sflag:s15] =	ssyncset.done $0x0;
	p0 =	sne.s32 s23, $0x4E000  }
.Ltmp1:
0x1e: {  	s24 =	sadd.s32 s24, s6;
	[sflag:s15] =	ssyncadd.s32 $0xFFFFF800;
	(pc) =	sbr.rel @p0 .LBB2_4-.Ltmp1, $3  }
0x1f: {  	[spmem:s24] =	stream.linear.scatter [tilespmem:s14], [sflag:$0x5], $0x800, $0x38;
	[tilespmem:$0x1C200] =	vst v63  }
0x20: {  	s23 =	sadd.s32 $0x2000, s23;
	_ =	sdelay $0x1  }
0x21: {  	_ =	swait.ge [sflag:s15], $0x800  }
0x22: {  	[sflag:s15] =	ssyncset.done $0x0  }
0x23: {  	[sflag:s15] =	ssyncadd.s32 $0xFFFFF800  }
0x24: {  	s23 =	simm.s32 $0x0;
	[bflag:$0x0] =	sbarrier.arrive $0xFFFF  }
0x25: {  	[tilespmem:s23], [sflag:$0x5] =	stream.linear.gather [hbm4b:s5+s23], $0x100, $0x38;
	[tilespmem:$0x1C200] =	vst v63  }
0x26: {  	_ =	swait.ge [sflag:s15], $0x100  }
0x27: {  	[sflag:s15] =	ssyncset.done $0x0  }
0x28: {  	[sflag:s15] =	ssyncadd.s32 $0xFFFFFF00  }
0x29: {  	[tilespmem:s14], [sflag:$0x3] =	stream.indirect.gather [hbm4b:s4+s16], $0x80, s23, s16, $0xb8;
	[tilespmem:$0x1C200] =	vst v63  }
0x2a: {  	_ = 	snop  }
0x2b: {  	[tilespmem:s17], [sflag:$0x2] =	stream.linear.gather [hbm4b:s7+s23], $0x100, $0x38;
	[tilespmem:$0x1C200] =	vst v63  }
0x2c: {  	_ =	swait.ge [sflag:s18], $0x100  }
0x2d: {  	[sflag:s18] =	ssyncset.done $0x0  }
0x2e: {  	[sflag:s18] =	ssyncadd.s32 $0xFFFFFF00  }
0x2f: {  	[tilespmem:s19], [sflag:$0x4] =	stream.indirect.gather [hbm4b:s4+s16], $0x80, s17, s16, $0xb8;
	[tilespmem:$0x1C200] =	vst v63  }
0x30: {  	_ =	swait.ge [sflag:s20], $0x4000  }
0x31: {  	[sflag:s20] =	ssyncset.done $0x0  }
0x32: {  	[sflag:s20] =	ssyncadd.s32 $0xFFFFC000  }
0x33: {  	[spmem:s2] =	stream.indirect.scatter.add.f32 [tilespmem:s14], [sflag:$0x5], $0x80, s16, s16, $0xb8;
	[tilespmem:$0x1C200] =	vst v63  }
0x34: {  	p0 =	sle.u32 s10, $0x0;
	_ =	swait.ge [sflag:s15], $0x4000  }
0x35: {  	s24 =	sadd.s32 @!p0 $0xFFFFFFE0, s13;
	[sflag:s15] =	ssyncset.done $0x0  }
0x36: {  	s25 =	simm.s32 @!p0 $0x0;
	s26 =	simm.s32 @!p0 $0x1;
	[sflag:s15] =	ssyncadd.s32 $0xFFFFC000  }
0x37: {  	[tilespmem:s25], [sflag:$0x1] =	stream.linear.gather @!p0 [hbm4b:s24+s25], $0x100, $0x38;
	[tilespmem:$0x1C200] =	vst v63  }
0x38: {  	_ =	swait.ge @!p0 [sflag:s26], $0x100  }
0x39: {  	[sflag:s26] =	ssyncset.done @!p0 $0x0  }
0x3a: {  	s28 =	simm.s32 @!p0 $0x200;
	s24 =	simm.s32 @!p0 $0x80;
	[sflag:s26] =	ssyncadd.s32 @!p0 $0xFFFFFF00  }
0x3b: {  	[tilespmem:s28], [sflag:$0x3] =	stream.indirect.gather @!p0 [hbm4b:s4+s24], $0x80, s25, s24, $0xb8;
	[tilespmem:$0x1C200] =	vst v63  }
0x3c: {  	s25 =	sadd.s32 $0xFFFFFFFF, s12  }
0x3d: {  	_ =	swait.ge [sflag:s21], $0x4000;
	p0 =	sne.s32 s25, $0x0  }
.Ltmp2:
0x3e: {  	[sflag:s21] =	ssyncset.done $0x0;
	(pc) =	sbr.rel @!p0 .LBB2_7-.Ltmp2, $4  }
0x3f: {  	p1 =	sle.u32 s11, $0x0;
	[sflag:s21] =	ssyncadd.s32 $0xFFFFC000  }
0x40: {  	[spmem:s2] =	stream.indirect.scatter.add.f32 [tilespmem:s19], [sflag:$0x5], $0x80, s22, s16, $0xb8;
	[tilespmem:$0x1C200] =	vst v63  }
0x41: {  	s29 =	simm.s32 @!p1 $0x100;
	s26 =	smov.u32 s13;
	_ =	swait.ge [sflag:s15], $0x4000  }
0x42: {  	s24 =	sadd.s32 $0x40, s13;
	s28 =	simm.s32 @!p1 $0x0;
	[sflag:s15] =	ssyncset.done $0x0  }
.LBB2_6:
0x43: {  	s25 =	sadd.s32 $0xFFFFFFFF, s25;
	[sflag:s15] =	ssyncadd.s32 $0xFFFFC000;
	s23 =	sadd.s32 $0x2, s23  }
0x44: {  	[tilespmem:s29], [sflag:$0x2] =	stream.linear.gather @!p1 [hbm4b:s26+s28], $0x100, $0x38;
	[tilespmem:$0x1C200] =	vst v63  }
0x45: {  	p0 =	sne.s32 s25, $0x0;
	s26 =	smov.u32 s24;
	_ =	swait.ge [sflag:s18], $0x100  }
0x46: {  	[sflag:s18] =	ssyncset.done $0x0  }
0x47: {  	[sflag:s18] =	ssyncadd.s32 $0xFFFFFF00  }
0x48: {  	[tilespmem:s19], [sflag:$0x4] =	stream.indirect.gather [hbm4b:s4+s16], $0x80, s17, s16, $0xb8;
	[tilespmem:$0x1C200] =	vst v63  }
0x49: {  	_ =	swait.ge [sflag:s20], $0x4000  }
0x4a: {  	[sflag:s20] =	ssyncset.done $0x0  }
0x4b: {  	[sflag:s20] =	ssyncadd.s32 $0xFFFFC000  }
0x4c: {  	[spmem:s2] =	stream.indirect.scatter.add.f32 [tilespmem:s14], [sflag:$0x5], $0x80, s16, s16, $0xb8;
	[tilespmem:$0x1C200] =	vst v63  }
0x4d: {  	p1 =	sge.u32 s23, s10;
	_ =	swait.ge [sflag:s15], $0x4000  }
0x4e: {  	s28 =	sadd.s32 @!p1 $0xFFFFFFE0, s24;
	s29 =	simm.s32 @!p1 $0x0;
	[sflag:s15] =	ssyncset.done $0x0  }
0x4f: {  	s30 =	simm.s32 @!p1 $0x1;
	[sflag:s15] =	ssyncadd.s32 $0xFFFFC000  }
0x50: {  	[tilespmem:s29], [sflag:$0x1] =	stream.linear.gather @!p1 [hbm4b:s28+s29], $0x100, $0x38;
	[tilespmem:$0x1C200] =	vst v63  }
0x51: {  	_ =	swait.ge @!p1 [sflag:s30], $0x100  }
0x52: {  	s31 =	simm.s32 @!p1 $0x200;
	s28 =	simm.s32 @!p1 $0x80;
	[sflag:s30] =	ssyncset.done @!p1 $0x0  }
0x53: {  	[sflag:s30] =	ssyncadd.s32 @!p1 $0xFFFFFF00  }
0x54: {  	[tilespmem:s31], [sflag:$0x3] =	stream.indirect.gather @!p1 [hbm4b:s4+s28], $0x80, s29, s28, $0xb8;
	[tilespmem:$0x1C200] =	vst v63  }
0x55: {  	_ =	swait.ge [sflag:s21], $0x4000  }
.Ltmp3:
0x56: {  	[sflag:s21] =	ssyncset.done $0x0;
	(pc) =	sbr.rel @p0 .LBB2_6-.Ltmp3, $4  }
0x57: {  	[sflag:s21] =	ssyncadd.s32 $0xFFFFC000  }
0x58: {  	[spmem:s2] =	stream.indirect.scatter.add.f32 [tilespmem:s19], [sflag:$0x5], $0x80, s22, s16, $0xb8;
	[tilespmem:$0x1C200] =	vst v63  }
0x59: {  	s24 =	sadd.s32 $0x40, s24;
	p1 =	sge.u32 s23, s11;
	_ =	swait.ge [sflag:s15], $0x4000  }
0x5a: {  	s28 =	simm.s32 @!p1 $0x0;
	s29 =	simm.s32 @!p1 $0x100;
	[sflag:s15] =	ssyncset.done $0x0  }
.LBB2_7:
0x5b: {  	[sflag:s15] =	ssyncadd.s32 $0xFFFFC000  }
0x5c: {  	[tilespmem:s29], [sflag:$0x2] =	stream.linear.gather @!p1 [hbm4b:s26+s28], $0x100, $0x38;
	[tilespmem:$0x1C200] =	vst v63  }
0x5d: {  	_ =	swait.ge [sflag:s18], $0x100  }
0x5e: {  	[sflag:s18] =	ssyncset.done $0x0  }
0x5f: {  	[sflag:s18] =	ssyncadd.s32 $0xFFFFFF00  }
0x60: {  	[tilespmem:s19], [sflag:$0x4] =	stream.indirect.gather [hbm4b:s4+s16], $0x80, s17, s16, $0xb8;
	[tilespmem:$0x1C200] =	vst v63  }
0x61: {  	_ =	swait.ge [sflag:s20], $0x4000  }
0x62: {  	[sflag:s20] =	ssyncset.done $0x0  }
0x63: {  	[sflag:s20] =	ssyncadd.s32 $0xFFFFC000  }
0x64: {  	[spmem:s2] =	stream.indirect.scatter.add.f32 [tilespmem:s14], [sflag:$0x5], $0x80, s16, s16, $0xb8;
	[tilespmem:$0x1C200] =	vst v63  }
0x65: {  	s23 =	sadd.s32 $0x2, s23;
	_ =	swait.ge [sflag:s15], $0x4000  }
0x66: {  	p0 =	sge.u32 s23, s10;
	[sflag:s15] =	ssyncset.done $0x0  }
0x67: {  	s25 =	sadd.s32 @!p0 $0xFFFFFFE0, s24;
	s26 =	simm.s32 @!p0 $0x0;
	[sflag:s15] =	ssyncadd.s32 $0xFFFFC000  }
0x68: {  	[tilespmem:s26], [sflag:$0x1] =	stream.linear.gather @!p0 [hbm4b:s25+s26], $0x100, $0x38;
	[tilespmem:$0x1C200] =	vst v63  }
0x69: {  	s25 =	simm.s32 @!p0 $0x1  }
0x6a: {  	_ =	swait.ge @!p0 [sflag:s25], $0x100  }
0x6b: {  	[sflag:s25] =	ssyncset.done @!p0 $0x0  }
0x6c: {  	s28 =	simm.s32 @!p0 $0x200;
	[sflag:s25] =	ssyncadd.s32 @!p0 $0xFFFFFF00;
	s25 =	simm.s32 @!p0 $0x80  }
0x6d: {  	[tilespmem:s28], [sflag:$0x3] =	stream.indirect.gather @!p0 [hbm4b:s4+s25], $0x80, s26, s25, $0xb8;
	[tilespmem:$0x1C200] =	vst v63  }
0x6e: {  	_ =	swait.ge [sflag:s21], $0x4000  }
0x6f: {  	[sflag:s21] =	ssyncset.done $0x0  }
0x70: {  	[sflag:s21] =	ssyncadd.s32 $0xFFFFC000  }
0x71: {  	[spmem:s2] =	stream.indirect.scatter.add.f32 [tilespmem:s19], [sflag:$0x5], $0x80, s22, s16, $0xb8;
	[tilespmem:$0x1C200] =	vst v63  }
0x72: {  	_ =	swait.ge [sflag:s15], $0x4000  }
0x73: {  	s3 =	sadd.s32 $0x1, s3;
	p0 =	sge.u32 s23, s11;
	[sflag:s15] =	ssyncset.done $0x0  }
0x74: {  	s23 =	simm.s32 @!p0 $0x0;
	s25 =	simm.s32 @!p0 $0x100;
	[sflag:s15] =	ssyncadd.s32 $0xFFFFC000  }
0x75: {  	[tilespmem:s25], [sflag:$0x2] =	stream.linear.gather @!p0 [hbm4b:s24+s23], $0x100, $0x38;
	[tilespmem:$0x1C200] =	vst v63  }
0x76: {  	s30 =	sshll.u32 s0, $0x6;
	s31 =	sshrl.u32 s6, $0x3;
	p0 =	sne.s32 s3, s9  }
.Ltmp4:
0x77: {  	s23 =	sor.u32 $0x1C05, s30;
	[bflag:$0x0] =	sbarrier.arrive $0xFFFF;
	(pc) =	sbr.rel @p0 .LBB2_1-.Ltmp4, $4  }
0x78: {  	[hbm:s8], [sflag:s23] =	dma.local [spmem:s31], $0x2800  }
0x79: {  	_ =	swait.ge [sflag:s15], $0x2800  }
0x7a: {  	[sflag:s15] =	ssyncset.done $0x0  }
0x7b: {  	[sflag:s15] =	ssyncadd.s32 $0xFFFFD800  }
0x7c: {  	_ =	sfence.sel $0x180000  }
0x7d: {  	[bflag:$0x0] =	sbarrier.arrive $0xFFFF  }
0x7e: {  	p0 =	sne.s32 s0, $0x0;
	_ =	strace $0x9000004A  }
0x7f: {  	s0 =	sadd.s32 @!p0 $0x100000, s1;
	[bflag:$0x2] =	sbarrier.arrive $0xFFFF  }
0x80: {  	[sflag:s0] =	ssyncadd.tile.s32 @!p0 $0x1;
	_ =	shalt  }
.Lfunc_end2:
_tile_overlayer_lowered:
.L_overlay_start_2:
0x81: {  	(tag) =	ssettag $0x2  }
0x82: {  	s0 =	rddreg [dreg:$0x0];
	s2 =	stileid.u32  }
0x83: {  	s1 =	rddreg [dreg:$0x1];
	p0 =	sne.s32 s2, $0x0  }
0x84: {  	s3 =	rddreg [dreg:$0x2];
	[bflag:$0x3] =	sbarrier.arrive $0xFFFF;
	s2 =	simm.s32 @!p0 $0x1C05  }
0x85: {  	[timem:s3], [sflag:s2] =	dma.local @!p0 [hbm:s0], s1  }
0x86: {  	s0 =	simm.s32 @!p0 $0x5  }
0x87: {  	_ =	swait.ge @!p0 [sflag:s0], s1  }
0x88: {  	s1 =	ssub.s32 @!p0 $0x0, s1;
	[sflag:s0] =	ssyncset.done @!p0 $0x0  }
0x89: {  	[sflag:s0] =	ssyncadd.s32 @!p0 s1  }
0x8a: {  	[bflag:$0x3] =	sbarrier.arrive $0xFFFF  }
0x8b: {  	_ =	shalt  }

// kernel: kernel.14.cloned.1.call-start
scs
__scs_entry_jumppad:
0x0: {  	(pc) =	sbr.rel $0x88, $3  }
0x1: {  	(tag) =	ssettag $0x0;
	lr =	simm.s32 $0x1  }
0x2: {  	[smem:$0x3F9B] =	sst lr;
	_ =	strace $0xD0000000  }
0x3: {  	_ = 	snop  }
0x4: {  	_ = 	snop  }
0x5: {  	_ = 	snop  }
0x6: {  	_ = 	snop  }
0x7: {  	_ = 	snop  }
__scs_overlays_trampoline_lowered:
0x8: {  	[smem:$0x3FAA] =	sst s0  }
0x9: {  	[smem:$0x3FAB] =	sst s1  }
0xa: {  	[smem:$0x3FAC] =	sst s2  }
0xb: {  	[smem:$0x3FAD] =	sst s3  }
0xc: {  	[smem:$0x3FAE] =	sst s4  }
0xd: {  	[smem:$0x3FAF] =	sst s5  }
0xe: {  	[smem:$0x3FB0] =	sst s6  }
0xf: {  	[smem:$0x3FB1] =	sst s7  }
0x10: {  	[smem:$0x3FB2] =	sst s8  }
0x11: {  	[smem:$0x3FB3] =	sst s9;
	s0 =	simm.s32 @!p0 $0x0  }
0x12: {  	s1 =	sld [smem:$0x3F99];
	s0 =	simm.s32 @p0 $0x1  }
0x13: {  	[smem:$0x3FB4] =	sst s0;
	s0 =	simm.s32 @!p1 $0x0  }
0x14: {  	s2 =	sld [smem:$0x3F98];
	s0 =	simm.s32 @p1 $0x1  }
0x15: {  	[smem:$0x3FB5] =	sst s0;
	s0 =	simm.s32 @!p2 $0x0  }
0x16: {  	s3 =	sld [smem:$0x3FDB];
	s0 =	simm.s32 @p2 $0x1  }
0x17: {  	s4 =	simm.s32 $0x1BF5;
	[smem:$0x3FB7] =	sst s0  }
0x18: {  	s0 =	sld [smem:$0x3F9A];
	_ =	swait.ge [sflag:s4], $0x0  }
0x19: {  	s7 =	sld [smem:$0x3F9B]  }
0x1a: {  	s8 =	sadd.s32 $0xFFFFE003, lr  }
0x1b: {  	s9 =	sadd.s32 $0xFFFFFEF7, lr;
	s5 =	simm.s32 $0xFFFFFFFF;
	p2 =	slt.u32 s8, $0xFFFFF086  }
0x1c: {  	p1 =	slt.u32 s9, $0xF7A;
	s5 =	simm.s32 @!p2 $0x0  }
0x1d: {  	s5 =	simm.s32 @p1 $0x1;
	p0 =	seq.s32 s7, s2  }
0x1e: {  	s7 =	smul.u32 @!p0 $0xF7A, s2;
	p2 =	seq.s32 @!p0 s5, $0x0  }
0x1f: {  	s9 =	smul.u32 $0xF7A, s1;
	s8 =	simm.s32 @!p0 $0x1BF5;
	p2 =	por !p2, p0  }
0x20: {  	[sflag:s8] =	ssyncset.s32 @!p0 $0xFFFFF086;
	s6 =	sadd.s32 @!p0 s3, s7;
	s7 =	simm.s32 @!p0 $0x108  }
0x21: {  	s3 =	sadd.s32 s3, s9;
	s6 =	sadd.s32 @!p0 $0x88, s6;
	s7 =	simm.s32 @p2 $0x1082  }
0x22: {  	[simem:s7], [sflag:s8] =	dma.local @!p0 [hbm:s6], $0xF7A  }
0x23: {  	s9 =	sor.u32 $0xD0000000, s2;
	s6 =	simm.s32 $0x108;
	_ =	swait.ge @!p0 [sflag:s8], $0x0  }
0x24: {  	s3 =	sadd.s32 $0x88, s3;
	s6 =	simm.s32 @!p1 $0x1082;
	[sflag:s4] =	ssyncset.s32 $0xFFFFF086  }
0x25: {  	[simem:s6], [sflag:s4] =	dma.local [hbm:s3], $0xF7A  }
0x26: {  	[smem:$0x3F9B] =	sst s1;
	(tag) =	ssettag s2;
	_ =	strace s9  }
0x27: {  	s1 =	sld [smem:$0x3FAB]  }
0x28: {  	s2 =	sld [smem:$0x3FAC]  }
0x29: {  	s4 =	sld [smem:$0x3FAE]  }
0x2a: {  	p0 =	seq.s32 s5, $0x0;
	s5 =	sld [smem:$0x3FAF]  }
0x2b: {  	s6 =	sld [smem:$0x3FB0]  }
0x2c: {  	s7 =	sld [smem:$0x3FB1]  }
0x2d: {  	s3 =	simm.s32 $0x108;
	s8 =	sld [smem:$0x3FB2]  }
0x2e: {  	s3 =	simm.s32 @!p0 $0x1082;
	s9 =	sld [smem:$0x3FB3]  }
0x2f: {  	lr =	sadd.s32 s0, s3;
	s0 =	sld [smem:$0x3FAA]  }
0x30: {  	s3 =	sld [smem:$0x3FAD]  }
0x31: {  	[smem:$0x3FB6] =	sst s10  }
0x32: {  	s10 =	sld [smem:$0x3FB4];
	_ =	sdelay $0x3  }
0x33: {  	p0 =	seq.s32 s10, $0x1;
	s10 =	sld [smem:$0x3FB6];
	_ =	sdelay $0x3  }
0x34: {  	[smem:$0x3FB6] =	sst s10  }
0x35: {  	s10 =	sld [smem:$0x3FB5];
	_ =	sdelay $0x3  }
0x36: {  	p1 =	seq.s32 s10, $0x1;
	s10 =	sld [smem:$0x3FB6];
	_ =	sdelay $0x3  }
0x37: {  	[smem:$0x3FB6] =	sst s10  }
0x38: {  	s10 =	sld [smem:$0x3FB7]  }
0x39: {  	_ = 	snop;
	(pc) =	sbr.ind lr, $3  }
0x3a: {  	_ = 	snop  }
0x3b: {  	_ = 	snop  }
0x3c: {  	p2 =	seq.s32 s10, $0x1;
	s10 =	sld [smem:$0x3FB6]  }
0x3d: {  	_ =	shalt  }
0x3e: {  	_ =	shalt  }
0x3f: {  	_ =	shalt  }
0x40: {  	_ =	shalt  }
0x41: {  	_ =	shalt  }
0x42: {  	_ =	shalt  }
0x43: {  	_ =	shalt  }
0x44: {  	_ =	shalt  }
0x45: {  	_ =	shalt  }
0x46: {  	_ =	shalt  }
0x47: {  	_ =	shalt  }
0x48: {  	_ =	shalt  }
0x49: {  	_ =	shalt  }
0x4a: {  	_ =	shalt  }
0x4b: {  	_ =	shalt  }
0x4c: {  	_ =	shalt  }
0x4d: {  	_ =	shalt  }
0x4e: {  	_ =	shalt  }
0x4f: {  	_ =	shalt  }
0x50: {  	_ =	shalt  }
0x51: {  	_ =	shalt  }
0x52: {  	_ =	shalt  }
0x53: {  	_ =	shalt  }
0x54: {  	_ =	shalt  }
0x55: {  	_ =	shalt  }
0x56: {  	_ =	shalt  }
0x57: {  	_ =	shalt  }
0x58: {  	_ =	shalt  }
0x59: {  	_ =	shalt  }
0x5a: {  	_ =	shalt  }
0x5b: {  	_ =	shalt  }
0x5c: {  	_ =	shalt  }
0x5d: {  	_ =	shalt  }
0x5e: {  	_ =	shalt  }
0x5f: {  	_ =	shalt  }
0x60: {  	_ =	shalt  }
0x61: {  	_ =	shalt  }
0x62: {  	_ =	shalt  }
0x63: {  	_ =	shalt  }
0x64: {  	_ =	shalt  }
0x65: {  	_ =	shalt  }
0x66: {  	_ =	shalt  }
0x67: {  	_ =	shalt  }
0x68: {  	_ =	shalt  }
0x69: {  	_ =	shalt  }
0x6a: {  	_ =	shalt  }
0x6b: {  	_ =	shalt  }
0x6c: {  	_ =	shalt  }
0x6d: {  	_ =	shalt  }
0x6e: {  	_ =	shalt  }
0x6f: {  	_ =	shalt  }
0x70: {  	_ =	shalt  }
0x71: {  	_ =	shalt  }
0x72: {  	_ =	shalt  }
0x73: {  	_ =	shalt  }
0x74: {  	_ =	shalt  }
0x75: {  	_ =	shalt  }
0x76: {  	_ =	shalt  }
0x77: {  	_ =	shalt  }
0x78: {  	_ =	shalt  }
0x79: {  	_ =	shalt  }
0x7a: {  	_ =	shalt  }
0x7b: {  	_ =	shalt  }
0x7c: {  	_ =	shalt  }
0x7d: {  	_ =	shalt  }
0x7e: {  	_ =	shalt  }
0x7f: {  	_ =	shalt  }
0x80: {  	_ =	shalt  }
0x81: {  	_ =	shalt  }
0x82: {  	_ =	shalt  }
0x83: {  	_ =	shalt  }
0x84: {  	_ =	shalt  }
0x85: {  	_ =	shalt  }
0x86: {  	_ =	shalt  }
0x87: {  	_ =	shalt  }
.Lfunc_end0:
.L_simem_size_0:
called_computation.2_lowered:
.L_overlay_start_0:
0x88: {  	s2 =	sld [smem:$0x3FD9]  }
0x89: {  	s3 =	sld [smem:$0x3FFE];
	_ =	sdelay $0x1  }
0x8a: {  	s1 =	srdreg.scid  }
0x8b: {  	s0 =	sand.u32 $0x1, s1  }
0x8c: {  	s17 =	sshll.u32 s0, $0xA;
	s2 =	sadd.s32 s3, s2  }
0x8d: {  	s2 =	sadd.s32 s2, s17  }
0x8e: {  	[smem:$0x3FC2] =	sst s2  }
0x8f: {  	_ = 	snop  }
0x90: {  	s2 =	sld [smem:$0x3FD0];
	(tm) =	ssettm $0x1  }
0x91: {  	s18 =	sld [smem:$0x3FFB];
	_ =	sdelay $0x3  }
0x92: {  	_ =	strace s18  }
0x93: {  	s3 =	sld [smem:$0x3FFC];
	_ =	sdelay $0x3  }
0x94: {  	_ =	strace s3  }
0x95: {  	s3 =	sld [smem:$0x3FFD];
	_ =	sdelay $0x3  }
0x96: {  	_ =	strace s3  }
0x97: {  	_ =	strace $0x8FFFFFFF  }
0x98: {  	s19 =	sld [smem:$0x3FDB];
	_ =	sdelay $0x1  }
0x99: {  	s4 =	simm.s32 $_scs_section_size  }
0x9a: {  	s5 =	simm.s32 $_size__tile_overlayer_lowered;
	s6 =	simm.s32 $_tile_overlayer_lowered  }
0x9b: {  	s22 =	simm.s32 $0x1BFF;
	s21 =	sshll.u32 s6, $0x1;
	s3 =	sadd.s32 s4, s19  }
0x9c: {  	s7 =	simm.s32 $0x0;
	s20 =	sshll.u32 s5, $0x1;
	s5 =	sadd.s32 s21, s3  }
0x9d: {  	[timem:s7], [sflag:s22] =	dma.local [hbm:s5], s20  }
0x9e: {  	_ =	swait.ge [sflag:s22], s20  }
0x9f: {  	s4 =	ssub.s32 $0x0, s20;
	[sflag:s22] =	ssyncset.done $0x0  }
0xa0: {  	[sflag:s22] =	ssyncadd.s32 s4;
	_ =	sdelay $0x1  }
0xa1: {  	s23 =	simm.s32 $0x1B8B  }
0xa2: {  	_ =	swait.ge [sflag:s23], $0x1  }
0xa3: {  	[sflag:s23] =	ssyncset.done $0x0  }
0xa4: {  	s25 =	simm.s32 $0x1B8E;
	s24 =	sld [smem:$0x3FFE];
	[sflag:s23] =	ssyncadd.s32 $0xFFFFFFFF  }
0xa5: {  	s26 =	simm.s32 $execute0_lowered;
	[smem:$0x3FD2] =	sst s25  }
0xa6: {  	s5 =	sshll.u32 s26, $0x1;
	_ =	strace $0x8000004C;
	[dreg:$0x1] =	wrdreg $0xFFFFFFFF  }
0xa7: {  	s28 =	simm.s32 $_size_execute0_lowered;
	s3 =	sadd.s32 s3, s5;
	[dreg:$0x0] =	wrdreg $0x0  }
0xa8: {  	s5 =	sshll.u32 s28, $0x1;
	[dreg:$0x2] =	wrdreg s3  }
0xa9: {  	[dreg:$0x3] =	wrdreg s5  }
0xaa: {  	[dreg:$0x4] =	wrdreg $0xC0  }
0xab: {  	_ =	task [dreg:s7], $0x5FFFF  }
0xac: {  	[dreg:$0x1] =	wrdreg $0xFFFFFFFF  }
0xad: {  	[dreg:$0x0] =	wrdreg $0x60  }
0xae: {  	[dreg:$0x2] =	wrdreg s24  }
0xaf: {  	[dreg:$0x3] =	wrdreg s2  }
0xb0: {  	[dreg:$0x4] =	wrdreg $0x82000  }
0xb1: {  	[dreg:$0x5] =	wrdreg $0x9  }
0xb2: {  	_ =	task.clear_ibuf [dreg:s7], $0x6FFFF;
	_ =	strace $0x9000004C  }
0xb3: {  	s29 =	simm.s32 $0x9;
	_ =	strace $0x8000004E  }
0xb4: {  	_ =	swait.ge [sflag:s29], $0x1  }
0xb5: {  	[sflag:s29] =	ssyncadd.s32 $0xFFFFFFFF  }
0xb6: {  	_ =	strace $0x9000004E  }
0xb7: {  	_ =	sfence  }
0xb8: {  	s30 =	sld [smem:$0x0];
	_ =	sdelay $0x2  }
0xb9: {  	s31 =	sshll.u32 s1, $0xD;
	s1 =	sshrl.u32 s1, $0x2  }
0xba: {  	s3 =	sand.u32 $0x4000, s31;
	s1 =	sadd.s32 s1, s30  }
0xbb: {  	s0 =	sor.u32 s3, s0;
	s1 =	sshll.u32 s1, $0x11  }
0xbc: {  	s0 =	sor.u32 s1, s0  }
0xbd: {  	s0 =	sadd.s32 $0x8F2B, s0  }
0xbe: {  	[sflag:s0] =	ssyncadd.remote.s32 $0x1  }
0xbf: {  	_ =	sfence.sel $0xFFFF  }
0xc0: {  	[dreg:$0x0] =	wrdreg $0xFFFFFFFF;
	(pc) =	sbr.abs _section_cstart, $3  }
0xc1: {  	[dreg:$0x1] =	wrdreg $0xFFFFFFFF  }
0xc2: {  	_ =	task.clear_ibuf [dreg:s7], $0x2FFFF;
	_ =	strace $0x9FFFFFFF  }
0xc3: {  	(tm) =	ssettm $0x7FFFFFFF  }
tec
execute0_lowered:
.L_overlay_start_1:
0x0: {  	(tag) =	ssettag $0x1  }
0x1: {  	s5 =	rddreg [dreg:$0x0]  }
0x2: {  	s6 =	rddreg [dreg:$0x1]  }
0x3: {  	s2 =	rddreg [dreg:$0x2]  }
0x4: {  	s0 =	srdreg.scid;
	s1 =	rddreg [dreg:$0x3];
	s3 =	simm.s32 $0x0  }
0x5: {  	s11 =	simm.s32 $0x9A;
	s14 =	simm.s32 $0x200;
	s15 =	simm.s32 $0x5  }
0x6: {  	s16 =	simm.s32 $0x80;
	s17 =	simm.s32 $0x100;
	s18 =	simm.s32 $0x2  }
0x7: {  	s19 =	simm.s32 $0x4200;
	s20 =	simm.s32 $0x3;
	s7 =	sand.u32 $0x1, s0  }
0x8: {  	s21 =	simm.s32 $0x4;
	s0 =	stileid.u32;
	s4 =	smul.u32 $0x140000, s7  }
0x9: {  	s22 =	simm.s32 $0x180;
	[smem:$0x7FF] =	sst s3;
	s8 =	smul.u32 $0x14000, s0  }
0xa: {  	_ =	strace $0x8000004D;
	s9 =	smul.u32 $0xA, s0;
	s10 =	ssub.s32 $0x2, s7  }
0xb: {  	p0 =	seq.s32 s7, $0x0;
	s30 =	smul.u32 $0x50000, s0;
	s4 =	sadd.s32 s8, s4  }
0xc: {  	s29 =	sshrl.u32 s10, $0x1;
	s11 =	simm.s32 @!p0 $0xA;
	s8 =	sshrl.u32 s4, $0x3  }
0xd: {  	s4 =	sadd.s32 $0x1C00, s5;
	s8 =	sadd.s32 s8, s5;
	s5 =	smul.u32 $0x9A, s0  }
0xe: {  	s7 =	sadd.s32 $0x9A0, s9;
	s9 =	ssub.s32 s10, s29;
	s31 =	sshrl.u32 s30, $0x2  }
0xf: {  	s12 =	sshrl.u32 s11, $0x1;
	s10 =	sadd.s32 $0xFFFFFFFE, s11;
	s7 =	smov.u32 @p0 s5  }
0x10: {  	s11 =	sadd.s32 $0xFFFFFFFD, s11;
	s9 =	smax.u32 s9, $0x1;
	s7 =	sshll.u32 s7, $0x5  }
0x11: {  	s12 =	sadd.s32 $0xFFFFFFFF, s12;
	s8 =	sadd.s32 $0x29C00, s8;
	s5 =	sadd.s32 s6, s7  }
0x12: {  	v0 =	vimm.f32 $0.0e+00;
	s6 =	sadd.s32 s31, s2;
	s7 =	sadd.s32 $0x20, s5;
	s13 =	sadd.s32 $0x60, s5  }
.LBB2_1:
0x13: {  	s23 =	simm.s32 $0x0;
	s24 =	simm.s32 $0x0  }
.LBB2_2:
0x14: {  	p0 =	sne.s32 s24, $0x1FC0  }
.Ltmp0:
0x15: {  	_ = 	snop;
	(pc) =	sbr.rel @p0 .LBB2_2-.Ltmp0, $4  }
0x16: {  	s25 =	sand.u32 $0x1E00, s24  }
0x17: {  	s26 =	sand.u32 $0x70, s23;
	s25 =	sshrl.u32 s25, $0x2  }
0x18: {  	s25 =	sor.u32 s26, s25  }
0x19: {  	s23 =	sadd.s32 $0x10, s23;
	s24 =	sadd.s32 $0x40, s24;
	[tilespmem:s25+$0x200] =	vst v0  }
0x1a: {  	s23 =	sadd.s32 $0x0, s6  }
0x1b: {  	[spmem:s23] =	stream.linear.scatter [tilespmem:s14], [sflag:$0x5], $0x800, $0x38;
	[tilespmem:$0x1C200] =	vst v63  }
0x1c: {  	s23 =	simm.s32 $0x2000;
	_ =	swait.ge [sflag:s15], $0x800  }
.LBB2_4:
0x1d: {  	s24 =	sshra.s32 s23, $0x2;
	[sflag:s15] =	ssyncset.done $0x0;
	p0 =	sne.s32 s23, $0x4E000  }
.Ltmp1:
0x1e: {  	s24 =	sadd.s32 s24, s6;
	[sflag:s15] =	ssyncadd.s32 $0xFFFFF800;
	(pc) =	sbr.rel @p0 .LBB2_4-.Ltmp1, $3  }
0x1f: {  	[spmem:s24] =	stream.linear.scatter [tilespmem:s14], [sflag:$0x5], $0x800, $0x38;
	[tilespmem:$0x1C200] =	vst v63  }
0x20: {  	s23 =	sadd.s32 $0x2000, s23;
	_ =	sdelay $0x1  }
0x21: {  	_ =	swait.ge [sflag:s15], $0x800  }
0x22: {  	[sflag:s15] =	ssyncset.done $0x0  }
0x23: {  	[sflag:s15] =	ssyncadd.s32 $0xFFFFF800  }
0x24: {  	s23 =	simm.s32 $0x0;
	[bflag:$0x0] =	sbarrier.arrive $0xFFFF  }
0x25: {  	[tilespmem:s23], [sflag:$0x5] =	stream.linear.gather [hbm4b:s5+s23], $0x100, $0x38;
	[tilespmem:$0x1C200] =	vst v63  }
0x26: {  	_ =	swait.ge [sflag:s15], $0x100  }
0x27: {  	[sflag:s15] =	ssyncset.done $0x0  }
0x28: {  	[sflag:s15] =	ssyncadd.s32 $0xFFFFFF00  }
0x29: {  	[tilespmem:s14], [sflag:$0x3] =	stream.indirect.gather [hbm4b:s4+s16], $0x80, s23, s16, $0xb8;
	[tilespmem:$0x1C200] =	vst v63  }
0x2a: {  	_ = 	snop  }
0x2b: {  	[tilespmem:s17], [sflag:$0x2] =	stream.linear.gather [hbm4b:s7+s23], $0x100, $0x38;
	[tilespmem:$0x1C200] =	vst v63  }
0x2c: {  	_ =	swait.ge [sflag:s18], $0x100  }
0x2d: {  	[sflag:s18] =	ssyncset.done $0x0  }
0x2e: {  	[sflag:s18] =	ssyncadd.s32 $0xFFFFFF00  }
0x2f: {  	[tilespmem:s19], [sflag:$0x4] =	stream.indirect.gather [hbm4b:s4+s16], $0x80, s17, s16, $0xb8;
	[tilespmem:$0x1C200] =	vst v63  }
0x30: {  	_ =	swait.ge [sflag:s20], $0x4000  }
0x31: {  	[sflag:s20] =	ssyncset.done $0x0  }
0x32: {  	[sflag:s20] =	ssyncadd.s32 $0xFFFFC000  }
0x33: {  	[spmem:s2] =	stream.indirect.scatter.add.f32 [tilespmem:s14], [sflag:$0x5], $0x80, s16, s16, $0xb8;
	[tilespmem:$0x1C200] =	vst v63  }
0x34: {  	p0 =	sle.u32 s10, $0x0;
	_ =	swait.ge [sflag:s15], $0x4000  }
0x35: {  	s24 =	sadd.s32 @!p0 $0xFFFFFFE0, s13;
	[sflag:s15] =	ssyncset.done $0x0  }
0x36: {  	s25 =	simm.s32 @!p0 $0x0;
	s26 =	simm.s32 @!p0 $0x1;
	[sflag:s15] =	ssyncadd.s32 $0xFFFFC000  }
0x37: {  	[tilespmem:s25], [sflag:$0x1] =	stream.linear.gather @!p0 [hbm4b:s24+s25], $0x100, $0x38;
	[tilespmem:$0x1C200] =	vst v63  }
0x38: {  	_ =	swait.ge @!p0 [sflag:s26], $0x100  }
0x39: {  	[sflag:s26] =	ssyncset.done @!p0 $0x0  }
0x3a: {  	s28 =	simm.s32 @!p0 $0x200;
	s24 =	simm.s32 @!p0 $0x80;
	[sflag:s26] =	ssyncadd.s32 @!p0 $0xFFFFFF00  }
0x3b: {  	[tilespmem:s28], [sflag:$0x3] =	stream.indirect.gather @!p0 [hbm4b:s4+s24], $0x80, s25, s24, $0xb8;
	[tilespmem:$0x1C200] =	vst v63  }
0x3c: {  	s25 =	sadd.s32 $0xFFFFFFFF, s12  }
0x3d: {  	_ =	swait.ge [sflag:s21], $0x4000;
	p0 =	sne.s32 s25, $0x0  }
.Ltmp2:
0x3e: {  	[sflag:s21] =	ssyncset.done $0x0;
	(pc) =	sbr.rel @!p0 .LBB2_7-.Ltmp2, $4  }
0x3f: {  	p1 =	sle.u32 s11, $0x0;
	[sflag:s21] =	ssyncadd.s32 $0xFFFFC000  }
0x40: {  	[spmem:s2] =	stream.indirect.scatter.add.f32 [tilespmem:s19], [sflag:$0x5], $0x80, s22, s16, $0xb8;
	[tilespmem:$0x1C200] =	vst v63  }
0x41: {  	s29 =	simm.s32 @!p1 $0x100;
	s26 =	smov.u32 s13;
	_ =	swait.ge [sflag:s15], $0x4000  }
0x42: {  	s24 =	sadd.s32 $0x40, s13;
	s28 =	simm.s32 @!p1 $0x0;
	[sflag:s15] =	ssyncset.done $0x0  }
.LBB2_6:
0x43: {  	s25 =	sadd.s32 $0xFFFFFFFF, s25;
	[sflag:s15] =	ssyncadd.s32 $0xFFFFC000;
	s23 =	sadd.s32 $0x2, s23  }
0x44: {  	[tilespmem:s29], [sflag:$0x2] =	stream.linear.gather @!p1 [hbm4b:s26+s28], $0x100, $0x38;
	[tilespmem:$0x1C200] =	vst v63  }
0x45: {  	p0 =	sne.s32 s25, $0x0;
	s26 =	smov.u32 s24;
	_ =	swait.ge [sflag:s18], $0x100  }
0x46: {  	[sflag:s18] =	ssyncset.done $0x0  }
0x47: {  	[sflag:s18] =	ssyncadd.s32 $0xFFFFFF00  }
0x48: {  	[tilespmem:s19], [sflag:$0x4] =	stream.indirect.gather [hbm4b:s4+s16], $0x80, s17, s16, $0xb8;
	[tilespmem:$0x1C200] =	vst v63  }
0x49: {  	_ =	swait.ge [sflag:s20], $0x4000  }
0x4a: {  	[sflag:s20] =	ssyncset.done $0x0  }
0x4b: {  	[sflag:s20] =	ssyncadd.s32 $0xFFFFC000  }
0x4c: {  	[spmem:s2] =	stream.indirect.scatter.add.f32 [tilespmem:s14], [sflag:$0x5], $0x80, s16, s16, $0xb8;
	[tilespmem:$0x1C200] =	vst v63  }
0x4d: {  	p1 =	sge.u32 s23, s10;
	_ =	swait.ge [sflag:s15], $0x4000  }
0x4e: {  	s28 =	sadd.s32 @!p1 $0xFFFFFFE0, s24;
	s29 =	simm.s32 @!p1 $0x0;
	[sflag:s15] =	ssyncset.done $0x0  }
0x4f: {  	s30 =	simm.s32 @!p1 $0x1;
	[sflag:s15] =	ssyncadd.s32 $0xFFFFC000  }
0x50: {  	[tilespmem:s29], [sflag:$0x1] =	stream.linear.gather @!p1 [hbm4b:s28+s29], $0x100, $0x38;
	[tilespmem:$0x1C200] =	vst v63  }
0x51: {  	_ =	swait.ge @!p1 [sflag:s30], $0x100  }
0x52: {  	s31 =	simm.s32 @!p1 $0x200;
	s28 =	simm.s32 @!p1 $0x80;
	[sflag:s30] =	ssyncset.done @!p1 $0x0  }
0x53: {  	[sflag:s30] =	ssyncadd.s32 @!p1 $0xFFFFFF00  }
0x54: {  	[tilespmem:s31], [sflag:$0x3] =	stream.indirect.gather @!p1 [hbm4b:s4+s28], $0x80, s29, s28, $0xb8;
	[tilespmem:$0x1C200] =	vst v63  }
0x55: {  	_ =	swait.ge [sflag:s21], $0x4000  }
.Ltmp3:
0x56: {  	[sflag:s21] =	ssyncset.done $0x0;
	(pc) =	sbr.rel @p0 .LBB2_6-.Ltmp3, $4  }
0x57: {  	[sflag:s21] =	ssyncadd.s32 $0xFFFFC000  }
0x58: {  	[spmem:s2] =	stream.indirect.scatter.add.f32 [tilespmem:s19], [sflag:$0x5], $0x80, s22, s16, $0xb8;
	[tilespmem:$0x1C200] =	vst v63  }
0x59: {  	s24 =	sadd.s32 $0x40, s24;
	p1 =	sge.u32 s23, s11;
	_ =	swait.ge [sflag:s15], $0x4000  }
0x5a: {  	s28 =	simm.s32 @!p1 $0x0;
	s29 =	simm.s32 @!p1 $0x100;
	[sflag:s15] =	ssyncset.done $0x0  }
.LBB2_7:
0x5b: {  	[sflag:s15] =	ssyncadd.s32 $0xFFFFC000  }
0x5c: {  	[tilespmem:s29], [sflag:$0x2] =	stream.linear.gather @!p1 [hbm4b:s26+s28], $0x100, $0x38;
	[tilespmem:$0x1C200] =	vst v63  }
0x5d: {  	_ =	swait.ge [sflag:s18], $0x100  }
0x5e: {  	[sflag:s18] =	ssyncset.done $0x0  }
0x5f: {  	[sflag:s18] =	ssyncadd.s32 $0xFFFFFF00  }
0x60: {  	[tilespmem:s19], [sflag:$0x4] =	stream.indirect.gather [hbm4b:s4+s16], $0x80, s17, s16, $0xb8;
	[tilespmem:$0x1C200] =	vst v63  }
0x61: {  	_ =	swait.ge [sflag:s20], $0x4000  }
0x62: {  	[sflag:s20] =	ssyncset.done $0x0  }
0x63: {  	[sflag:s20] =	ssyncadd.s32 $0xFFFFC000  }
0x64: {  	[spmem:s2] =	stream.indirect.scatter.add.f32 [tilespmem:s14], [sflag:$0x5], $0x80, s16, s16, $0xb8;
	[tilespmem:$0x1C200] =	vst v63  }
0x65: {  	s23 =	sadd.s32 $0x2, s23;
	_ =	swait.ge [sflag:s15], $0x4000  }
0x66: {  	p0 =	sge.u32 s23, s10;
	[sflag:s15] =	ssyncset.done $0x0  }
0x67: {  	s25 =	sadd.s32 @!p0 $0xFFFFFFE0, s24;
	s26 =	simm.s32 @!p0 $0x0;
	[sflag:s15] =	ssyncadd.s32 $0xFFFFC000  }
0x68: {  	[tilespmem:s26], [sflag:$0x1] =	stream.linear.gather @!p0 [hbm4b:s25+s26], $0x100, $0x38;
	[tilespmem:$0x1C200] =	vst v63  }
0x69: {  	s25 =	simm.s32 @!p0 $0x1  }
0x6a: {  	_ =	swait.ge @!p0 [sflag:s25], $0x100  }
0x6b: {  	[sflag:s25] =	ssyncset.done @!p0 $0x0  }
0x6c: {  	s28 =	simm.s32 @!p0 $0x200;
	[sflag:s25] =	ssyncadd.s32 @!p0 $0xFFFFFF00;
	s25 =	simm.s32 @!p0 $0x80  }
0x6d: {  	[tilespmem:s28], [sflag:$0x3] =	stream.indirect.gather @!p0 [hbm4b:s4+s25], $0x80, s26, s25, $0xb8;
	[tilespmem:$0x1C200] =	vst v63  }
0x6e: {  	_ =	swait.ge [sflag:s21], $0x4000  }
0x6f: {  	[sflag:s21] =	ssyncset.done $0x0  }
0x70: {  	[sflag:s21] =	ssyncadd.s32 $0xFFFFC000  }
0x71: {  	[spmem:s2] =	stream.indirect.scatter.add.f32 [tilespmem:s19], [sflag:$0x5], $0x80, s22, s16, $0xb8;
	[tilespmem:$0x1C200] =	vst v63  }
0x72: {  	_ =	swait.ge [sflag:s15], $0x4000  }
0x73: {  	s3 =	sadd.s32 $0x1, s3;
	p0 =	sge.u32 s23, s11;
	[sflag:s15] =	ssyncset.done $0x0  }
0x74: {  	s23 =	simm.s32 @!p0 $0x0;
	s25 =	simm.s32 @!p0 $0x100;
	[sflag:s15] =	ssyncadd.s32 $0xFFFFC000  }
0x75: {  	[tilespmem:s25], [sflag:$0x2] =	stream.linear.gather @!p0 [hbm4b:s24+s23], $0x100, $0x38;
	[tilespmem:$0x1C200] =	vst v63  }
0x76: {  	s30 =	sshll.u32 s0, $0x6;
	s31 =	sshrl.u32 s6, $0x3;
	p0 =	sne.s32 s3, s9  }
.Ltmp4:
0x77: {  	s23 =	sor.u32 $0x1C05, s30;
	[bflag:$0x0] =	sbarrier.arrive $0xFFFF;
	(pc) =	sbr.rel @p0 .LBB2_1-.Ltmp4, $4  }
0x78: {  	[hbm:s8], [sflag:s23] =	dma.local [spmem:s31], $0x2800  }
0x79: {  	_ =	swait.ge [sflag:s15], $0x2800  }
0x7a: {  	[sflag:s15] =	ssyncset.done $0x0  }
0x7b: {  	[sflag:s15] =	ssyncadd.s32 $0xFFFFD800  }
0x7c: {  	_ =	sfence.sel $0x180000  }
0x7d: {  	[bflag:$0x0] =	sbarrier.arrive $0xFFFF  }
0x7e: {  	p0 =	sne.s32 s0, $0x0;
	_ =	strace $0x9000004D  }
0x7f: {  	s0 =	sadd.s32 @!p0 $0x100000, s1;
	[bflag:$0x2] =	sbarrier.arrive $0xFFFF  }
0x80: {  	[sflag:s0] =	ssyncadd.tile.s32 @!p0 $0x1;
	_ =	shalt  }
.Lfunc_end2:
_tile_overlayer_lowered:
.L_overlay_start_2:
0x81: {  	(tag) =	ssettag $0x2  }
0x82: {  	s0 =	rddreg [dreg:$0x0];
	s2 =	stileid.u32  }
0x83: {  	s1 =	rddreg [dreg:$0x1];
	p0 =	sne.s32 s2, $0x0  }
0x84: {  	s3 =	rddreg [dreg:$0x2];
	[bflag:$0x3] =	sbarrier.arrive $0xFFFF;
	s2 =	simm.s32 @!p0 $0x1C05  }
0x85: {  	[timem:s3], [sflag:s2] =	dma.local @!p0 [hbm:s0], s1  }
0x86: {  	s0 =	simm.s32 @!p0 $0x5  }
0x87: {  	_ =	swait.ge @!p0 [sflag:s0], s1  }
0x88: {  	s1 =	ssub.s32 @!p0 $0x0, s1;
	[sflag:s0] =	ssyncset.done @!p0 $0x0  }
0x89: {  	[sflag:s0] =	ssyncadd.s32 @!p0 s1  }
0x8a: {  	[bflag:$0x3] =	sbarrier.arrive $0xFFFF  }
0x8b: {  	_ =	shalt  }

// kernel: kernel.8.cloned.1.call-start
scs
__scs_entry_jumppad:
0x0: {  	(pc) =	sbr.rel $0x88, $3  }
0x1: {  	(tag) =	ssettag $0x0;
	lr =	simm.s32 $0x1  }
0x2: {  	[smem:$0x3F9B] =	sst lr;
	_ =	strace $0xD0000000  }
0x3: {  	_ = 	snop  }
0x4: {  	_ = 	snop  }
0x5: {  	_ = 	snop  }
0x6: {  	_ = 	snop  }
0x7: {  	_ = 	snop  }
__scs_overlays_trampoline_lowered:
0x8: {  	[smem:$0x3FAA] =	sst s0  }
0x9: {  	[smem:$0x3FAB] =	sst s1  }
0xa: {  	[smem:$0x3FAC] =	sst s2  }
0xb: {  	[smem:$0x3FAD] =	sst s3  }
0xc: {  	[smem:$0x3FAE] =	sst s4  }
0xd: {  	[smem:$0x3FAF] =	sst s5  }
0xe: {  	[smem:$0x3FB0] =	sst s6  }
0xf: {  	[smem:$0x3FB1] =	sst s7  }
0x10: {  	[smem:$0x3FB2] =	sst s8  }
0x11: {  	[smem:$0x3FB3] =	sst s9;
	s0 =	simm.s32 @!p0 $0x0  }
0x12: {  	s1 =	sld [smem:$0x3F99];
	s0 =	simm.s32 @p0 $0x1  }
0x13: {  	[smem:$0x3FB4] =	sst s0;
	s0 =	simm.s32 @!p1 $0x0  }
0x14: {  	s2 =	sld [smem:$0x3F98];
	s0 =	simm.s32 @p1 $0x1  }
0x15: {  	[smem:$0x3FB5] =	sst s0;
	s0 =	simm.s32 @!p2 $0x0  }
0x16: {  	s3 =	sld [smem:$0x3FDB];
	s0 =	simm.s32 @p2 $0x1  }
0x17: {  	s4 =	simm.s32 $0x1BF5;
	[smem:$0x3FB7] =	sst s0  }
0x18: {  	s0 =	sld [smem:$0x3F9A];
	_ =	swait.ge [sflag:s4], $0x0  }
0x19: {  	s7 =	sld [smem:$0x3F9B]  }
0x1a: {  	s8 =	sadd.s32 $0xFFFFE003, lr  }
0x1b: {  	s9 =	sadd.s32 $0xFFFFFEF7, lr;
	s5 =	simm.s32 $0xFFFFFFFF;
	p2 =	slt.u32 s8, $0xFFFFF086  }
0x1c: {  	p1 =	slt.u32 s9, $0xF7A;
	s5 =	simm.s32 @!p2 $0x0  }
0x1d: {  	s5 =	simm.s32 @p1 $0x1;
	p0 =	seq.s32 s7, s2  }
0x1e: {  	s7 =	smul.u32 @!p0 $0xF7A, s2;
	p2 =	seq.s32 @!p0 s5, $0x0  }
0x1f: {  	s9 =	smul.u32 $0xF7A, s1;
	s8 =	simm.s32 @!p0 $0x1BF5;
	p2 =	por !p2, p0  }
0x20: {  	[sflag:s8] =	ssyncset.s32 @!p0 $0xFFFFF086;
	s6 =	sadd.s32 @!p0 s3, s7;
	s7 =	simm.s32 @!p0 $0x108  }
0x21: {  	s3 =	sadd.s32 s3, s9;
	s6 =	sadd.s32 @!p0 $0x88, s6;
	s7 =	simm.s32 @p2 $0x1082  }
0x22: {  	[simem:s7], [sflag:s8] =	dma.local @!p0 [hbm:s6], $0xF7A  }
0x23: {  	s9 =	sor.u32 $0xD0000000, s2;
	s6 =	simm.s32 $0x108;
	_ =	swait.ge @!p0 [sflag:s8], $0x0  }
0x24: {  	s3 =	sadd.s32 $0x88, s3;
	s6 =	simm.s32 @!p1 $0x1082;
	[sflag:s4] =	ssyncset.s32 $0xFFFFF086  }
0x25: {  	[simem:s6], [sflag:s4] =	dma.local [hbm:s3], $0xF7A  }
0x26: {  	[smem:$0x3F9B] =	sst s1;
	(tag) =	ssettag s2;
	_ =	strace s9  }
0x27: {  	s1 =	sld [smem:$0x3FAB]  }
0x28: {  	s2 =	sld [smem:$0x3FAC]  }
0x29: {  	s4 =	sld [smem:$0x3FAE]  }
0x2a: {  	p0 =	seq.s32 s5, $0x0;
	s5 =	sld [smem:$0x3FAF]  }
0x2b: {  	s6 =	sld [smem:$0x3FB0]  }
0x2c: {  	s7 =	sld [smem:$0x3FB1]  }
0x2d: {  	s3 =	simm.s32 $0x108;
	s8 =	sld [smem:$0x3FB2]  }
0x2e: {  	s3 =	simm.s32 @!p0 $0x1082;
	s9 =	sld [smem:$0x3FB3]  }
0x2f: {  	lr =	sadd.s32 s0, s3;
	s0 =	sld [smem:$0x3FAA]  }
0x30: {  	s3 =	sld [smem:$0x3FAD]  }
0x31: {  	[smem:$0x3FB6] =	sst s10  }
0x32: {  	s10 =	sld [smem:$0x3FB4];
	_ =	sdelay $0x3  }
0x33: {  	p0 =	seq.s32 s10, $0x1;
	s10 =	sld [smem:$0x3FB6];
	_ =	sdelay $0x3  }
0x34: {  	[smem:$0x3FB6] =	sst s10  }
0x35: {  	s10 =	sld [smem:$0x3FB5];
	_ =	sdelay $0x3  }
0x36: {  	p1 =	seq.s32 s10, $0x1;
	s10 =	sld [smem:$0x3FB6];
	_ =	sdelay $0x3  }
0x37: {  	[smem:$0x3FB6] =	sst s10  }
0x38: {  	s10 =	sld [smem:$0x3FB7]  }
0x39: {  	_ = 	snop;
	(pc) =	sbr.ind lr, $3  }
0x3a: {  	_ = 	snop  }
0x3b: {  	_ = 	snop  }
0x3c: {  	p2 =	seq.s32 s10, $0x1;
	s10 =	sld [smem:$0x3FB6]  }
0x3d: {  	_ =	shalt  }
0x3e: {  	_ =	shalt  }
0x3f: {  	_ =	shalt  }
0x40: {  	_ =	shalt  }
0x41: {  	_ =	shalt  }
0x42: {  	_ =	shalt  }
0x43: {  	_ =	shalt  }
0x44: {  	_ =	shalt  }
0x45: {  	_ =	shalt  }
0x46: {  	_ =	shalt  }
0x47: {  	_ =	shalt  }
0x48: {  	_ =	shalt  }
0x49: {  	_ =	shalt  }
0x4a: {  	_ =	shalt  }
0x4b: {  	_ =	shalt  }
0x4c: {  	_ =	shalt  }
0x4d: {  	_ =	shalt  }
0x4e: {  	_ =	shalt  }
0x4f: {  	_ =	shalt  }
0x50: {  	_ =	shalt  }
0x51: {  	_ =	shalt  }
0x52: {  	_ =	shalt  }
0x53: {  	_ =	shalt  }
0x54: {  	_ =	shalt  }
0x55: {  	_ =	shalt  }
0x56: {  	_ =	shalt  }
0x57: {  	_ =	shalt  }
0x58: {  	_ =	shalt  }
0x59: {  	_ =	shalt  }
0x5a: {  	_ =	shalt  }
0x5b: {  	_ =	shalt  }
0x5c: {  	_ =	shalt  }
0x5d: {  	_ =	shalt  }
0x5e: {  	_ =	shalt  }
0x5f: {  	_ =	shalt  }
0x60: {  	_ =	shalt  }
0x61: {  	_ =	shalt  }
0x62: {  	_ =	shalt  }
0x63: {  	_ =	shalt  }
0x64: {  	_ =	shalt  }
0x65: {  	_ =	shalt  }
0x66: {  	_ =	shalt  }
0x67: {  	_ =	shalt  }
0x68: {  	_ =	shalt  }
0x69: {  	_ =	shalt  }
0x6a: {  	_ =	shalt  }
0x6b: {  	_ =	shalt  }
0x6c: {  	_ =	shalt  }
0x6d: {  	_ =	shalt  }
0x6e: {  	_ =	shalt  }
0x6f: {  	_ =	shalt  }
0x70: {  	_ =	shalt  }
0x71: {  	_ =	shalt  }
0x72: {  	_ =	shalt  }
0x73: {  	_ =	shalt  }
0x74: {  	_ =	shalt  }
0x75: {  	_ =	shalt  }
0x76: {  	_ =	shalt  }
0x77: {  	_ =	shalt  }
0x78: {  	_ =	shalt  }
0x79: {  	_ =	shalt  }
0x7a: {  	_ =	shalt  }
0x7b: {  	_ =	shalt  }
0x7c: {  	_ =	shalt  }
0x7d: {  	_ =	shalt  }
0x7e: {  	_ =	shalt  }
0x7f: {  	_ =	shalt  }
0x80: {  	_ =	shalt  }
0x81: {  	_ =	shalt  }
0x82: {  	_ =	shalt  }
0x83: {  	_ =	shalt  }
0x84: {  	_ =	shalt  }
0x85: {  	_ =	shalt  }
0x86: {  	_ =	shalt  }
0x87: {  	_ =	shalt  }
.Lfunc_end0:
.L_simem_size_0:
called_computation_lowered:
.L_overlay_start_0:
0x88: {  	s2 =	sld [smem:$0x3FD9]  }
0x89: {  	s3 =	sld [smem:$0x3FFE];
	_ =	sdelay $0x1  }
0x8a: {  	s1 =	srdreg.scid  }
0x8b: {  	s0 =	sand.u32 $0x1, s1  }
0x8c: {  	s16 =	sshll.u32 s0, $0xA;
	s2 =	sadd.s32 s3, s2  }
0x8d: {  	s2 =	sadd.s32 s2, s16  }
0x8e: {  	[smem:$0x3FC2] =	sst s2  }
0x8f: {  	_ = 	snop  }
0x90: {  	(tm) =	ssettm $0x1  }
0x91: {  	s17 =	sld [smem:$0x3FFB];
	_ =	sdelay $0x3  }
0x92: {  	_ =	strace s17  }
0x93: {  	s2 =	sld [smem:$0x3FFC];
	_ =	sdelay $0x3  }
0x94: {  	_ =	strace s2  }
0x95: {  	s2 =	sld [smem:$0x3FFD];
	_ =	sdelay $0x3  }
0x96: {  	_ =	strace s2  }
0x97: {  	_ =	strace $0x8FFFFFFF  }
0x98: {  	s18 =	sld [smem:$0x3FDB];
	_ =	sdelay $0x1  }
0x99: {  	s19 =	simm.s32 $_scs_section_size  }
0x9a: {  	s4 =	simm.s32 $_size__tile_overlayer_lowered;
	s5 =	simm.s32 $_tile_overlayer_lowered  }
0x9b: {  	s22 =	simm.s32 $0x1BFF;
	s21 =	sshll.u32 s5, $0x1;
	s2 =	sadd.s32 s19, s18  }
0x9c: {  	s6 =	simm.s32 $0x0;
	s20 =	sshll.u32 s4, $0x1;
	s4 =	sadd.s32 s21, s2  }
0x9d: {  	[timem:s6], [sflag:s22] =	dma.local [hbm:s4], s20  }
0x9e: {  	_ =	swait.ge [sflag:s22], s20  }
0x9f: {  	s3 =	ssub.s32 $0x0, s20;
	[sflag:s22] =	ssyncset.done $0x0  }
0xa0: {  	[sflag:s22] =	ssyncadd.s32 s3;
	_ =	sdelay $0x1  }
0xa1: {  	s23 =	simm.s32 $0x1B8B  }
0xa2: {  	_ =	swait.ge [sflag:s23], $0x1  }
0xa3: {  	[sflag:s23] =	ssyncset.done $0x0  }
0xa4: {  	s25 =	simm.s32 $0x1B8E;
	s24 =	sld [smem:$0x3FFE];
	[sflag:s23] =	ssyncadd.s32 $0xFFFFFFFF  }
0xa5: {  	s26 =	simm.s32 $execute0_lowered;
	[smem:$0x3FD2] =	sst s25  }
0xa6: {  	s4 =	sshll.u32 s26, $0x1;
	_ =	strace $0x80000046;
	[dreg:$0x1] =	wrdreg $0xFFFFFFFF  }
0xa7: {  	s28 =	simm.s32 $_size_execute0_lowered;
	s2 =	sadd.s32 s2, s4;
	[dreg:$0x0] =	wrdreg $0x0  }
0xa8: {  	s4 =	sshll.u32 s28, $0x1;
	[dreg:$0x2] =	wrdreg s2  }
0xa9: {  	[dreg:$0x3] =	wrdreg s4  }
0xaa: {  	[dreg:$0x4] =	wrdreg $0xC0  }
0xab: {  	_ =	task [dreg:s6], $0x5FFFF  }
0xac: {  	[dreg:$0x1] =	wrdreg $0xFFFFFFFF  }
0xad: {  	[dreg:$0x0] =	wrdreg $0x60  }
0xae: {  	[dreg:$0x2] =	wrdreg s24  }
0xaf: {  	[dreg:$0x3] =	wrdreg $0x9  }
0xb0: {  	_ =	task.clear_ibuf [dreg:s6], $0x4FFFF;
	_ =	strace $0x90000046  }
0xb1: {  	s29 =	simm.s32 $0x9;
	_ =	strace $0x80000048  }
0xb2: {  	_ =	swait.ge [sflag:s29], $0x1  }
0xb3: {  	[sflag:s29] =	ssyncadd.s32 $0xFFFFFFFF  }
0xb4: {  	_ =	strace $0x90000048  }
0xb5: {  	_ =	sfence  }
0xb6: {  	s30 =	sld [smem:$0x0];
	_ =	sdelay $0x2  }
0xb7: {  	s31 =	sshll.u32 s1, $0xD;
	s1 =	sshrl.u32 s1, $0x2  }
0xb8: {  	s3 =	sand.u32 $0x4000, s31;
	s1 =	sadd.s32 s1, s30  }
0xb9: {  	s0 =	sor.u32 s3, s0;
	s1 =	sshll.u32 s1, $0x11  }
0xba: {  	s0 =	sor.u32 s1, s0  }
0xbb: {  	s0 =	sadd.s32 $0x8F2B, s0  }
0xbc: {  	[sflag:s0] =	ssyncadd.remote.s32 $0x1  }
0xbd: {  	_ =	sfence.sel $0xFFFF  }
0xbe: {  	[dreg:$0x0] =	wrdreg $0xFFFFFFFF;
	(pc) =	sbr.abs _section_cstart, $3  }
0xbf: {  	[dreg:$0x1] =	wrdreg $0xFFFFFFFF  }
0xc0: {  	_ =	task.clear_ibuf [dreg:s6], $0x2FFFF;
	_ =	strace $0x9FFFFFFF  }
0xc1: {  	(tm) =	ssettm $0x7FFFFFFF  }
tec
execute0_lowered:
.L_overlay_start_1:
0x0: {  	(tag) =	ssettag $0x1  }
0x1: {  	s0 =	srdreg.scid  }
0x2: {  	s3 =	sand.u32 $0x1, s0  }
0x3: {  	s4 =	rddreg [dreg:$0x0];
	s0 =	stileid.u32;
	s1 =	sshll.u32 s3, $0x4  }
0x4: {  	s2 =	simm.s32 $0x0;
	s8 =	simm.s32 $0x1;
	s1 =	sor.u32 s0, s1  }
0x5: {  	s9 =	simm.s32 $0x2900;
	s10 =	simm.s32 $0x0;
	s5 =	sshrl.u32 s1, $0x3  }
0x6: {  	[smem:$0x7FF] =	sst s2;
	s7 =	sshll.u32 s0, $0x7;
	s6 =	smul.u32 $0x14800, s5  }
0x7: {  	s3 =	ssub.s32 $0x2, s3;
	s7 =	sand.u32 $0x380, s7;
	s5 =	smul.u32 $0x14000, s5  }
0x8: {  	s31 =	sshrl.u32 s3, $0x1;
	s1 =	rddreg [dreg:$0x1];
	s6 =	sor.u32 s7, s6  }
0x9: {  	_ =	strace $0x80000047;
	s5 =	sor.u32 s7, s5;
	s6 =	sshrl.u32 s6, $0x3  }
0xa: {  	s7 =	simm.s32 $0x400;
	s5 =	sshrl.u32 s5, $0x3;
	s6 =	sadd.s32 s6, s4  }
0xb: {  	s4 =	sadd.s32 s5, s4;
	s5 =	ssub.s32 s3, s31;
	s3 =	sadd.s32 $0x1C00, s6  }
0xc: {  	v0 =	vimm.f32 $0.0e+00;
	v1 =	vimm.f32 $1.000000000e+00;
	s4 =	sadd.s32 $0xC000, s4;
	s5 =	smax.u32 s5, $0x1;
	s6 =	simm.s32 $0x80  }
.LBB2_1:
0xd: {  	[tilespmem:s2], [sflag:$0x1] =	stream.strided.gather [hbm4b:s3+s6], $0x2900, s7, s6, $0x38;
	[tilespmem:$0x5100] =	vst v63  }
0xe: {  	_ =	swait.ge [sflag:s8], $0x2900  }
0xf: {  	[sflag:s8] =	ssyncset.done $0x0  }
0x10: {  	s11 =	simm.s32 $0x0;
	[sflag:s8] =	ssyncadd.s32 $0xFFFFD700  }
.LBB2_2:
0x11: {  	p0 =	sne.s32 s11, $0x9FC0  }
.Ltmp0:
0x12: {  	_ = 	snop;
	(pc) =	sbr.rel @p0 .LBB2_2-.Ltmp0, $3  }
0x13: {  	_ =	sdelay $0x1  }
0x14: {  	s12 =	sshra.s32 s11, $0x2  }
0x15: {  	s11 =	sadd.s32 $0x40, s11;
	[tilespmem:s12+$0x2900] =	vst v0  }
0x16: {  	s12 =	simm.s32 $0x0;
	s11 =	simm.s32 $0x40  }
.LBB2_4:
0x17: {  	p0 =	sne.s32 s11, $0xA3C0;
	v2 =	vld [tilespmem:s12+$0x0];
	_ =	sdelay $0x3  }
.Ltmp1:
0x18: {  	(pc) =	sbr.rel @p0 .LBB2_4-.Ltmp1, $2  }
0x19: {  	_ =	sdelay $0x2  }
0x1a: {  	s12 =	sshra.s32 s11, $0x2;
	s11 =	sadd.s32 $0x40, s11;
	[tilespmem:v2+s9+$0x0] =	vst.idx.add.f32.msk $0xffff, v1  }
0x1b: {  	v2 =	vld [tilespmem:s12+$0x0];
	_ =	sdelay $0x5  }
0x1c: {  	s10 =	sadd.s32 $0x1, s10  }
0x1d: {  	p0 =	sne.s32 s10, s5  }
.Ltmp2:
0x1e: {  	[tilespmem:v2+s9+$0x0] =	vst.idx.add.f32.msk $0xffff, v1;
	(pc) =	sbr.rel @p0 .LBB2_1-.Ltmp2, $4  }
0x1f: {  	[hbm4b:s4+s6] =	stream.strided.scatter [tilespmem:s9], [sflag:$0x1], $0x2800, s7, s6, $0x38;
	[tilespmem:$0x5100] =	vst v63  }
0x20: {  	_ =	swait.ge [sflag:s8], $0x2800  }
0x21: {  	[sflag:s8] =	ssyncset.done $0x0  }
0x22: {  	[sflag:s8] =	ssyncadd.s32 $0xFFFFD800  }
0x23: {  	_ =	sfence.sel $0x180000  }
0x24: {  	[bflag:$0x0] =	sbarrier.arrive $0xFFFF  }
0x25: {  	p0 =	sne.s32 s0, $0x0;
	_ =	strace $0x90000047  }
0x26: {  	s0 =	sadd.s32 @!p0 $0x100000, s1;
	[bflag:$0x2] =	sbarrier.arrive $0xFFFF  }
0x27: {  	[sflag:s0] =	ssyncadd.tile.s32 @!p0 $0x1;
	_ =	shalt  }
.Lfunc_end2:
_tile_overlayer_lowered:
.L_overlay_start_2:
0x28: {  	(tag) =	ssettag $0x2  }
0x29: {  	s0 =	rddreg [dreg:$0x0];
	s2 =	stileid.u32  }
0x2a: {  	s1 =	rddreg [dreg:$0x1];
	p0 =	sne.s32 s2, $0x0  }
0x2b: {  	s3 =	rddreg [dreg:$0x2];
	[bflag:$0x3] =	sbarrier.arrive $0xFFFF;
	s2 =	simm.s32 @!p0 $0x1C01  }
0x2c: {  	[timem:s3], [sflag:s2] =	dma.local @!p0 [hbm:s0], s1  }
0x2d: {  	s0 =	simm.s32 @!p0 $0x1  }
0x2e: {  	_ =	swait.ge @!p0 [sflag:s0], s1  }
0x2f: {  	s1 =	ssub.s32 @!p0 $0x0, s1;
	[sflag:s0] =	ssyncset.done @!p0 $0x0  }
0x30: {  	[sflag:s0] =	ssyncadd.s32 @!p0 s1  }
0x31: {  	[bflag:$0x3] =	sbarrier.arrive $0xFFFF  }
0x32: {  	_ =	shalt  }

</sc_bundles>
